<compile_context>
chip_gen: v7x
topology: tpu7x:2x2x1
jax: 0.10.2.dev20260603
libtpu: 0.0.44.dev20260713+nightly
codegen_flags: <defaults>
</compile_context>

<pallas_src>
import functools

import jax
import jax.numpy as jnp
from jax import lax
from jax.experimental import pallas as pl
from jax.experimental.pallas import tpu as pltpu
from jax.experimental.pallas import tpu_sc as plsc

B, C, N, K = 8, 256, 16384, 512
NB = 2048
L = 16
NUM_CORES, NUM_SUBCORES = 2, 16
TPB = 4
CPT = K // TPB
NCH = N // L


def _dist2_body(h_ref, pie_ref, out_ref, ht_ref):
    hb = h_ref[0]
    d = hb - pie_ref[0]
    s = jnp.sum(d * d, axis=0)
    out_ref[0, 0, :] = lax.bitcast_convert_type(s, jnp.int32)
    ht_ref[0] = jnp.transpose(hb).reshape(NB * 2, 128)


def _dist2(h, pie):
    return pl.pallas_call(
        _dist2_body,
        grid=(N // NB, B),
        in_specs=[
            pl.BlockSpec((1, C, NB), lambda j, b: (b, 0, j)),
            pl.BlockSpec((1, C, 1), lambda j, b: (b, 0, 0)),
        ],
        out_specs=[
            pl.BlockSpec((1, 1, NB), lambda j, b: (b, 0, j)),
            pl.BlockSpec((1, NB * 2, 128), lambda j, b: (b, j, 0)),
        ],
        out_shape=[
            jax.ShapeDtypeStruct((B, 1, N), jnp.int32),
            jax.ShapeDtypeStruct((B, N * 2, 128), jnp.float32),
        ],
    )(h, pie)


def _sc_body(dist2_hbm, ht_hbm, out_hbm, d_v, hist_v, bufa_v, bufb_v,
             sel_v, list_v, dst_v, sem_a, sem_b):
    cid = lax.axis_index("c")
    sid = lax.axis_index("s")
    wid = cid * NUM_SUBCORES + sid
    b = wid // TPB
    q = wid % TPB

    pltpu.sync_copy(dist2_hbm.at[b], d_v)

    iota = lax.iota(jnp.int32, L)
    ones = jnp.ones((L,), jnp.int32)
    zeros = jnp.zeros((L,), jnp.int32)

    def read_d(i):
        return d_v[pl.ds(i * L, L)]

    def level(read, cnt, shift, remaining, dst):
        for i in range(16):
            hist_v[pl.ds(i * L, L)] = zeros
        nch = (cnt + L - 1) // L

        def hbody(i, carry):
            v = read(i)
            act = (i * L + iota) < cnt
            digit = lax.shift_right_logical(v, shift) & 255
            plsc.addupdate_scatter(hist_v, [digit], ones, mask=act)
            return carry

        lax.fori_loop(0, nch, hbody, jnp.int32(0))

        def sbody(j, carry):
            base, beta, below = carry
            cm = base + plsc.cumsum(hist_v[pl.ds(j * L, L)])
            lt = cm < remaining
            beta = beta + jnp.max(plsc.all_reduce_population_count(lt))
            below = jnp.maximum(below, jnp.max(jnp.where(lt, cm, zeros)))
            return jnp.max(cm), beta, below

        _, beta, below = lax.fori_loop(
            0, 16, sbody, (jnp.int32(0), jnp.int32(0), jnp.int32(0)))
        remaining = remaining - below

        if dst is None:
            return beta, remaining, cnt

        def fbody(i, off):
            v = read(i)
            act = ((i * L + iota) < cnt) & (
                (lax.shift_right_logical(v, shift) & 255) == beta)
            plsc.store_compressed(dst.at[pl.ds(off, L)], v, mask=act)
            return off + jnp.max(plsc.all_reduce_population_count(act))

        newcnt = lax.fori_loop(0, nch, fbody, jnp.int32(0))
        return beta, remaining, newcnt

    read_a = lambda i: bufa_v[pl.ds(i * L, L)]
    read_b = lambda i: bufb_v[pl.ds(i * L, L)]

    beta0, rem, cnt1 = level(read_d, N, 24, jnp.int32(K), bufa_v)
    beta1, rem, cnt2 = level(read_a, cnt1, 16, rem, bufb_v)
    beta2, rem, cnt3 = level(read_b, cnt2, 8, rem, bufa_v)
    beta3, rem, _ = level(read_a, cnt3, 0, rem, None)
    vbits = ((beta0 * 256 + beta1) * 256 + beta2) * 256 + beta3

    def ebody(i, carry):
        offl, offt = carry
        v = read_d(i)
        lane = i * L + iota
        actl = v < vbits
        plsc.store_compressed(sel_v.at[pl.ds(offl, L)], lane, mask=actl)
        offl = offl + jnp.max(plsc.all_reduce_population_count(actl))
        actt = v == vbits
        plsc.store_compressed(bufb_v.at[pl.ds(offt, L)], lane, mask=actt)
        offt = offt + jnp.max(plsc.all_reduce_population_count(actt))
        return offl, offt

    n_less, _ = lax.fori_loop(0, NCH, ebody, (jnp.int32(0), jnp.int32(0)))

    def cbody(j, carry):
        sel_v[pl.ds(n_less + j * L, L)] = bufb_v[pl.ds(j * L, L)]
        return carry

    lax.fori_loop(0, (rem + L - 1) // L, cbody, jnp.int32(0))

    base2 = b * (2 * N)
    for s in range(2):
        for j in range(64 // L):
            kv = sel_v[pl.ds(q * CPT + s * 64 + j * L, L)]
            r = base2 + kv * 2
            pos = 2 * (j * L + iota)
            svec = jnp.broadcast_to(jnp.int32(s), (L,))
            plsc.store_scatter(list_v, [svec, pos], r)
            plsc.store_scatter(list_v, [svec, pos + 1], r + 1)
    pltpu.async_copy(ht_hbm.at[list_v.at[0]],
                     dst_v.at[pl.ds(0, 128)], sem_a)
    pltpu.async_copy(ht_hbm.at[list_v.at[1]],
                     dst_v.at[pl.ds(128, 128)], sem_b)
    pltpu.make_async_copy(ht_hbm.at[list_v.at[0]],
                          dst_v.at[pl.ds(0, 128)], sem_a).wait()
    pltpu.make_async_copy(ht_hbm.at[list_v.at[1]],
                          dst_v.at[pl.ds(128, 128)], sem_b).wait()
    pltpu.sync_copy(dst_v, out_hbm.at[b, pl.ds(q * 2 * CPT, 2 * CPT), :])


@functools.lru_cache(maxsize=1)
def _sc_topk_gather():
    mesh = plsc.VectorSubcoreMesh(
        core_axis_name="c", subcore_axis_name="s",
        num_cores=NUM_CORES, num_subcores=NUM_SUBCORES)
    return pl.kernel(
        _sc_body,
        out_type=jax.ShapeDtypeStruct((B, K * 2, 128), jnp.float32),
        mesh=mesh,
        compiler_params=pltpu.CompilerParams(
            needs_layout_passes=False, use_tc_tiling_on_sc=False),
        scratch_types=[
            pltpu.VMEM((N,), jnp.int32),
            pltpu.VMEM((256,), jnp.int32),
            pltpu.VMEM((N + L,), jnp.int32),
            pltpu.VMEM((N + L,), jnp.int32),
            pltpu.VMEM((K + 2 * L,), jnp.int32),
            pltpu.VMEM((2, 128), jnp.int32),
            pltpu.VMEM((2 * CPT, 128), jnp.float32),
            pltpu.SemaphoreType.DMA,
            pltpu.SemaphoreType.DMA,
        ],
    )


def _attn_body(nb_ref, pir_ref, wc_ref, bc_ref, wa_ref, ba_ref, out_ref):
    relT = nb_ref[0] - pir_ref[0]
    tT = lax.dot_general(relT, wc_ref[...], (((1,), (1,)), ((), ())),
                         preferred_element_type=jnp.float32)
    tT = tT + bc_ref[...][None, :]
    s = lax.dot_general(tT, tT, (((1,), (1,)), ((), ())),
                        preferred_element_type=jnp.float32)
    e = jnp.exp(s - jnp.max(s, axis=1, keepdims=True))
    z = jnp.sum(e, axis=1, keepdims=True)
    w = (jnp.sum(e / z, axis=0) * (1.0 / K))[None, :]
    feat = jnp.dot(w, tT, preferred_element_type=jnp.float32)
    o = lax.dot_general(feat, wa_ref[...], (((1,), (1,)), ((), ())),
                        preferred_element_type=jnp.float32)
    out_ref[0, 0, :] = jnp.maximum(o + ba_ref[...][None, :], 0.0)[0]


def _attn(nbrs, pir, w_conv, b_conv, w_att, b_att):
    return pl.pallas_call(
        _attn_body,
        grid=(B,),
        in_specs=[
            pl.BlockSpec((1, K, C), lambda b: (b, 0, 0)),
            pl.BlockSpec((1, 1, C), lambda b: (b, 0, 0)),
            pl.BlockSpec((C, C), lambda b: (0, 0)),
            pl.BlockSpec((C,), lambda b: (0,)),
            pl.BlockSpec((C, C), lambda b: (0, 0)),
            pl.BlockSpec((C,), lambda b: (0,)),
        ],
        out_specs=pl.BlockSpec((1, 1, C), lambda b: (b, 0, 0)),
        out_shape=jax.ShapeDtypeStruct((B, 1, C), jnp.float32),
    )(nbrs, pir, w_conv, b_conv, w_att, b_att)


def kernel(h, pi, W_conv, b_conv, W_att, b_att):
    pie = pi[:, :, None]
    dist2_r, ht = _dist2(h, pie)
    dist2 = dist2_r.reshape(B, N)
    ht2 = ht.reshape(B * N * 2, 128)
    nbrs = _sc_topk_gather()(dist2, ht2).reshape(B, K, C)
    pir = pi[:, None, :]
    return _attn(nbrs, pir, W_conv, b_conv, W_att, b_att).reshape(B, C)

# --- scband reference (transcript-rebuilt; emitter-appended) ---
"""Pipeline reference for scband-laeconv-operation-85787676770352 (READ-ONLY COPY).

The authoritative reference and input builder live on the scoring server;
editing this copy changes nothing except your own understanding.
"""

import jax, jax.numpy as jnp
import numpy as np

K = 512

def setup_inputs(seed: int = 0):
    key = jax.random.key(seed)
    k1, k2, k3, k4 = jax.random.split(key, 4)
    h = jax.random.normal(k1, (8, 256, 16384), dtype=jnp.float32)
    pi = jax.random.normal(k2, (8, 256), dtype=jnp.float32)
    W_conv = jax.random.normal(k3, (256, 256), dtype=jnp.float32) * (1.0 / np.sqrt(256.0))
    b_conv = jnp.zeros((256,), dtype=jnp.float32)
    W_att = jax.random.normal(k4, (256, 256), dtype=jnp.float32) * (1.0 / np.sqrt(256.0))
    b_att = jnp.zeros((256,), dtype=jnp.float32)
    return {"h": h, "pi": pi, "W_conv": W_conv, "b_conv": b_conv, "W_att": W_att, "b_att": b_att}

def reference(h, pi, W_conv, b_conv, W_att, b_att):
    # distances from each point (along N dim) to the query point pi: [B, N]
    diff = h - pi[:, :, None]
    dist = jnp.sqrt(jnp.sum(diff * diff, axis=1))
    # K nearest neighbors (smallest distance)
    _, idx = jax.lax.top_k(-dist, K)  # idx: [B, K]
    # gather neighbor features: [B, C, K]
    neighbors = jnp.take_along_axis(h, idx[:, None, :], axis=2)
    rel = neighbors - pi[:, :, None]
    # 1x1 Conv1d == per-point linear map over channels: [B, C_out, K]
    t = jnp.einsum('oc,bck->bok', W_conv, rel) + b_conv[None, :, None]
    # attention over neighborhood: softmax(T^T T) -> [B, K, K]
    scores = jnp.einsum('bok,bol->bkl', t, t)
    attn = jax.nn.softmax(scores, axis=-1)
    # updated = attn @ T^T -> [B, K, C_out]
    updated = jnp.einsum('bkl,bol->bko', attn, t)
    feat = jnp.mean(updated, axis=1)  # [B, C_out]
    out = jax.nn.relu(feat @ W_att.T + b_att)
    return out

if __name__ == "__main__":
    import jax
    _d = setup_inputs()
    print(jax.jit(kernel)(*tuple(_d.values())))

</pallas_src>

<mosaic_0001>
#map = affine_map<(d0, d1) -> (0, 0)>
#map1 = affine_map<(d0, d1) -> (0, 0, 0)>
module attributes {stable_mosaic.version = 14 : i64} {
  func.func @_sc_body(%arg0: i32, %arg1: i32, %arg2: memref<8x16384xi32, #tpu.memory_space<hbm>>, %arg3: memref<262144x128xf32, #tpu.memory_space<hbm>>, %arg4: memref<8x1024x128xf32, #tpu.memory_space<hbm>>, %arg5: memref<16384xi32, #tpu.memory_space<vmem>>, %arg6: memref<256xi32, #tpu.memory_space<vmem>>, %arg7: memref<16400xi32, #tpu.memory_space<vmem>>, %arg8: memref<16400xi32, #tpu.memory_space<vmem>>, %arg9: memref<544xi32, #tpu.memory_space<vmem>>, %arg10: memref<2x128xi32, #tpu.memory_space<vmem>>, %arg11: memref<256x128xf32, #tpu.memory_space<vmem>>, %arg12: memref<!tpu.dma_semaphore, #tpu.memory_space<semaphore_mem>>, %arg13: memref<!tpu.dma_semaphore, #tpu.memory_space<semaphore_mem>>) attributes {dimension_semantics = [#tpu.dimension_semantics<core_parallel>, #tpu.dimension_semantics<subcore_parallel>], iteration_bounds = array<i64: 2, 16>, scalar_prefetch = 0 : i64, scratch_operands = 9 : i64, tpu.core_type = #tpu.core_type<sc_vector_subcore>, window_params = [{transform_indices = #map}, {transform_indices = #map}, {transform_indices = #map1}]} {
    %mul3A = arith.constant 16 : i32
    %mul3A_0 = arith.muli %arg0, %mul3A : i32
    %add3A = arith.addi %mul3A_0, %arg1 : i32
    %jit3A = arith.constant 4 : i32
    %div3A = arith.divsi %add3A, %jit3A : i32
    %sign3A = arith.constant 0 : i32
    %sign3A_1 = arith.cmpi sgt, %add3A, %sign3A : i32
    %sign3A_2 = arith.extui %sign3A_1 : i1 to i32
    %sign3A_3 = arith.constant 0 : i32
    %sign3A_4 = arith.cmpi slt, %add3A, %sign3A_3 : i32
    %sign3A_5 = arith.extui %sign3A_4 : i1 to i32
    %sign3A_6 = arith.subi %sign3A_2, %sign3A_5 : i32
    %sign3A_7 = arith.constant 0 : i32
    %sign3A_8 = arith.cmpi sgt, %jit3A, %sign3A_7 : i32
    %sign3A_9 = arith.extui %sign3A_8 : i1 to i32
    %sign3A_10 = arith.constant 0 : i32
    %sign3A_11 = arith.cmpi slt, %jit3A, %sign3A_10 : i32
    %sign3A_12 = arith.extui %sign3A_11 : i1 to i32
    %sign3A_13 = arith.subi %sign3A_9, %sign3A_12 : i32
    %ne3A = arith.cmpi ne, %sign3A_6, %sign3A_13 : i32
    %rem3A = arith.remsi %add3A, %jit3A : i32
    %ne3A_14 = arith.constant 0 : i32
    %ne3A_15 = arith.cmpi ne, %rem3A, %ne3A_14 : i32
    %and3A = arith.andi %ne3A, %ne3A_15 : i1
    %sub3A = arith.constant 1 : i32
    %sub3A_16 = arith.subi %div3A, %sub3A : i32
    %select_n3A = arith.select %and3A, %sub3A_16, %div3A : i32
    %jit3A_17 = arith.constant 4 : i32
    %eq3A = arith.constant 0 : i32
    %eq3A_18 = arith.cmpi eq, %jit3A_17, %eq3A : i32
    %jit3A_19 = arith.constant 1 : i32
    %select_n3A_20 = arith.select %eq3A_18, %jit3A_19, %jit3A_17 : i32
    %rem3A_21 = arith.remsi %add3A, %select_n3A_20 : i32
    %ne3A_22 = arith.constant 0 : i32
    %ne3A_23 = arith.cmpi ne, %rem3A_21, %ne3A_22 : i32
    %lt3A = arith.constant 0 : i32
    %lt3A_24 = arith.cmpi slt, %rem3A_21, %lt3A : i32
    %lt3A_25 = arith.constant 0 : i32
    %lt3A_26 = arith.cmpi slt, %select_n3A_20, %lt3A_25 : i32
    %ne3A_27 = arith.xori %lt3A_24, %lt3A_26 : i1
    %and3A_28 = arith.andi %ne3A_27, %ne3A_23 : i1
    %add3A_29 = arith.addi %rem3A_21, %select_n3A_20 : i32
    %select_n3A_30 = arith.select %and3A_28, %add3A_29, %rem3A_21 : i32
    "tpu.region"() ({
      %run_scoped3A = tpu.sem_alloc : memref<!tpu.dma_semaphore, #tpu.memory_space<semaphore_mem>>
      %dma_start3A_666 = arith.constant 0 : i32
      %dma_start3A_667 = tpu.memref_slice %arg2[%select_n3A, %dma_start3A_666] : memref<8x16384xi32, #tpu.memory_space<hbm>> -> memref<1x16384xi32, #tpu.memory_space<hbm>>
      %dma_start3A_668 = tpu.memref_squeeze %dma_start3A_667 : memref<1x16384xi32, #tpu.memory_space<hbm>> -> memref<16384xi32, #tpu.memory_space<hbm>>
      %dma_start3A_669 = arith.constant 0 : i32
      %dma_start3A_670 = tpu.memref_slice %arg2[%select_n3A, %dma_start3A_669] : memref<8x16384xi32, #tpu.memory_space<hbm>> -> memref<1x16384xi32, #tpu.memory_space<hbm>>
      %dma_start3A_671 = tpu.memref_squeeze %dma_start3A_670 : memref<1x16384xi32, #tpu.memory_space<hbm>> -> memref<16384xi32, #tpu.memory_space<hbm>>
      tpu.enqueue_dma source(%dma_start3A_671 : memref<16384xi32, #tpu.memory_space<hbm>>) target(%arg5 : memref<16384xi32, #tpu.memory_space<vmem>>) target_semaphore(%run_scoped3A : memref<!tpu.dma_semaphore, #tpu.memory_space<semaphore_mem>>)
      %dma_wait3A_672 = arith.constant 0 : i32
      %dma_wait3A_673 = tpu.memref_slice %arg2[%select_n3A, %dma_wait3A_672] : memref<8x16384xi32, #tpu.memory_space<hbm>> -> memref<1x16384xi32, #tpu.memory_space<hbm>>
      %dma_wait3A_674 = tpu.memref_squeeze %dma_wait3A_673 : memref<1x16384xi32, #tpu.memory_space<hbm>> -> memref<16384xi32, #tpu.memory_space<hbm>>
      %dma_wait3A_675 = arith.constant 0 : i32
      %dma_wait3A_676 = tpu.memref_slice %arg2[%select_n3A, %dma_wait3A_675] : memref<8x16384xi32, #tpu.memory_space<hbm>> -> memref<1x16384xi32, #tpu.memory_space<hbm>>
      %dma_wait3A_677 = tpu.memref_squeeze %dma_wait3A_676 : memref<1x16384xi32, #tpu.memory_space<hbm>> -> memref<16384xi32, #tpu.memory_space<hbm>>
      tpu.wait_dma2 semaphore(%run_scoped3A : memref<!tpu.dma_semaphore, #tpu.memory_space<semaphore_mem>>) src(%dma_wait3A_677 : memref<16384xi32, #tpu.memory_space<hbm>>) dst(%arg5 : memref<16384xi32, #tpu.memory_space<vmem>>)
      tpu.yield
    }) : () -> ()
    %iota3A = tpu.iota {dimensions = array<i32: 0>} : vector<16xi32>
    %broadcast_in_dim3A = arith.constant 1 : i32
    %broadcast_in_dim3A_31 = vector.broadcast %broadcast_in_dim3A : i32 to vector<16xi32>
    %broadcast_in_dim3A_32 = arith.constant 0 : i32
    %broadcast_in_dim3A_33 = vector.broadcast %broadcast_in_dim3A_32 : i32 to vector<16xi32>
    %swap3A = arith.constant 0 : index
    %swap3A_34 = tpu.vector_load %arg6[%swap3A] {strides = array<i32>} : memref<256xi32, #tpu.memory_space<vmem>>, vector<16xi32>,
    tpu.vector_store %arg6[%swap3A], %broadcast_in_dim3A_33 {strides = array<i32>} : memref<256xi32, #tpu.memory_space<vmem>>, vector<16xi32>,
    %swap3A_35 = arith.constant 16 : index
    %swap3A_36 = tpu.vector_load %arg6[%swap3A_35] {strides = array<i32>} : memref<256xi32, #tpu.memory_space<vmem>>, vector<16xi32>,
    tpu.vector_store %arg6[%swap3A_35], %broadcast_in_dim3A_33 {strides = array<i32>} : memref<256xi32, #tpu.memory_space<vmem>>, vector<16xi32>,
    %swap3A_37 = arith.constant 32 : index
    %swap3A_38 = tpu.vector_load %arg6[%swap3A_37] {strides = array<i32>} : memref<256xi32, #tpu.memory_space<vmem>>, vector<16xi32>,
    tpu.vector_store %arg6[%swap3A_37], %broadcast_in_dim3A_33 {strides = array<i32>} : memref<256xi32, #tpu.memory_space<vmem>>, vector<16xi32>,
    %swap3A_39 = arith.constant 48 : index
    %swap3A_40 = tpu.vector_load %arg6[%swap3A_39] {strides = array<i32>} : memref<256xi32, #tpu.memory_space<vmem>>, vector<16xi32>,
    tpu.vector_store %arg6[%swap3A_39], %broadcast_in_dim3A_33 {strides = array<i32>} : memref<256xi32, #tpu.memory_space<vmem>>, vector<16xi32>,
    %swap3A_41 = arith.constant 64 : index
    %swap3A_42 = tpu.vector_load %arg6[%swap3A_41] {strides = array<i32>} : memref<256xi32, #tpu.memory_space<vmem>>, vector<16xi32>,
    tpu.vector_store %arg6[%swap3A_41], %broadcast_in_dim3A_33 {strides = array<i32>} : memref<256xi32, #tpu.memory_space<vmem>>, vector<16xi32>,
    %swap3A_43 = arith.constant 80 : index
    %swap3A_44 = tpu.vector_load %arg6[%swap3A_43] {strides = array<i32>} : memref<256xi32, #tpu.memory_space<vmem>>, vector<16xi32>,
    tpu.vector_store %arg6[%swap3A_43], %broadcast_in_dim3A_33 {strides = array<i32>} : memref<256xi32, #tpu.memory_space<vmem>>, vector<16xi32>,
    %swap3A_45 = arith.constant 96 : index
    %swap3A_46 = tpu.vector_load %arg6[%swap3A_45] {strides = array<i32>} : memref<256xi32, #tpu.memory_space<vmem>>, vector<16xi32>,
    tpu.vector_store %arg6[%swap3A_45], %broadcast_in_dim3A_33 {strides = array<i32>} : memref<256xi32, #tpu.memory_space<vmem>>, vector<16xi32>,
    %swap3A_47 = arith.constant 112 : index
    %swap3A_48 = tpu.vector_load %arg6[%swap3A_47] {strides = array<i32>} : memref<256xi32, #tpu.memory_space<vmem>>, vector<16xi32>,
    tpu.vector_store %arg6[%swap3A_47], %broadcast_in_dim3A_33 {strides = array<i32>} : memref<256xi32, #tpu.memory_space<vmem>>, vector<16xi32>,
    %swap3A_49 = arith.constant 128 : index
    %swap3A_50 = tpu.vector_load %arg6[%swap3A_49] {strides = array<i32>} : memref<256xi32, #tpu.memory_space<vmem>>, vector<16xi32>,
    tpu.vector_store %arg6[%swap3A_49], %broadcast_in_dim3A_33 {strides = array<i32>} : memref<256xi32, #tpu.memory_space<vmem>>, vector<16xi32>,
    %swap3A_51 = arith.constant 144 : index
    %swap3A_52 = tpu.vector_load %arg6[%swap3A_51] {strides = array<i32>} : memref<256xi32, #tpu.memory_space<vmem>>, vector<16xi32>,
    tpu.vector_store %arg6[%swap3A_51], %broadcast_in_dim3A_33 {strides = array<i32>} : memref<256xi32, #tpu.memory_space<vmem>>, vector<16xi32>,
    %swap3A_53 = arith.constant 160 : index
    %swap3A_54 = tpu.vector_load %arg6[%swap3A_53] {strides = array<i32>} : memref<256xi32, #tpu.memory_space<vmem>>, vector<16xi32>,
    tpu.vector_store %arg6[%swap3A_53], %broadcast_in_dim3A_33 {strides = array<i32>} : memref<256xi32, #tpu.memory_space<vmem>>, vector<16xi32>,
    %swap3A_55 = arith.constant 176 : index
    %swap3A_56 = tpu.vector_load %arg6[%swap3A_55] {strides = array<i32>} : memref<256xi32, #tpu.memory_space<vmem>>, vector<16xi32>,
    tpu.vector_store %arg6[%swap3A_55], %broadcast_in_dim3A_33 {strides = array<i32>} : memref<256xi32, #tpu.memory_space<vmem>>, vector<16xi32>,
    %swap3A_57 = arith.constant 192 : index
    %swap3A_58 = tpu.vector_load %arg6[%swap3A_57] {strides = array<i32>} : memref<256xi32, #tpu.memory_space<vmem>>, vector<16xi32>,
    tpu.vector_store %arg6[%swap3A_57], %broadcast_in_dim3A_33 {strides = array<i32>} : memref<256xi32, #tpu.memory_space<vmem>>, vector<16xi32>,
    %swap3A_59 = arith.constant 208 : index
    %swap3A_60 = tpu.vector_load %arg6[%swap3A_59] {strides = array<i32>} : memref<256xi32, #tpu.memory_space<vmem>>, vector<16xi32>,
    tpu.vector_store %arg6[%swap3A_59], %broadcast_in_dim3A_33 {strides = array<i32>} : memref<256xi32, #tpu.memory_space<vmem>>, vector<16xi32>,
    %swap3A_61 = arith.constant 224 : index
    %swap3A_62 = tpu.vector_load %arg6[%swap3A_61] {strides = array<i32>} : memref<256xi32, #tpu.memory_space<vmem>>, vector<16xi32>,
    tpu.vector_store %arg6[%swap3A_61], %broadcast_in_dim3A_33 {strides = array<i32>} : memref<256xi32, #tpu.memory_space<vmem>>, vector<16xi32>,
    %swap3A_63 = arith.constant 240 : index
    %swap3A_64 = tpu.vector_load %arg6[%swap3A_63] {strides = array<i32>} : memref<256xi32, #tpu.memory_space<vmem>>, vector<16xi32>,
    tpu.vector_store %arg6[%swap3A_63], %broadcast_in_dim3A_33 {strides = array<i32>} : memref<256xi32, #tpu.memory_space<vmem>>, vector<16xi32>,
    %scan3A = arith.constant 0 : i32
    %scan3A_65 = arith.constant 0 : i32
    %scan3A_66 = arith.constant 1024 : i32
    %scan3A_67 = arith.addi %scan3A_65, %scan3A_66 : i32
    %scan3A_68 = arith.constant 1 : i32
    scf.for %scan3A_666 = %scan3A_65 to %scan3A_67 step %scan3A_68  : i32 {
      %mul3A_667 = arith.constant 16 : i32
      %mul3A_668 = arith.muli %scan3A_666, %mul3A_667 : i32
      %get3A_669 = arith.index_cast %mul3A_668 : i32 to index
      %get3A_670 = tpu.vector_load %arg5[%get3A_669] {strides = array<i32>} : memref<16384xi32, #tpu.memory_space<vmem>>, vector<16xi32>,
      %mul3A_671 = arith.constant 16 : i32
      %mul3A_672 = arith.muli %scan3A_666, %mul3A_671 : i32
      %add3A_673 = vector.broadcast %mul3A_672 : i32 to vector<16xi32>
      %add3A_674 = arith.addi %add3A_673, %iota3A : vector<16xi32>
      %lt3A_675 = arith.constant 16384 : i32
      %lt3A_676 = vector.broadcast %lt3A_675 : i32 to vector<16xi32>
      %lt3A_677 = arith.cmpi slt, %add3A_674, %lt3A_676 : vector<16xi32>
      %shift_right_logical3A = arith.constant 24 : i32
      %shift_right_logical3A_678 = vector.broadcast %shift_right_logical3A : i32 to vector<16xi32>
      %shift_right_logical3A_679 = arith.shrui %get3A_670, %shift_right_logical3A_678 : vector<16xi32>
      %and3A_680 = arith.constant 255 : i32
      %and3A_681 = vector.broadcast %and3A_680 : i32 to vector<16xi32>
      %and3A_682 = arith.andi %shift_right_logical3A_679, %and3A_681 : vector<16xi32>
      tpu.vector_store_idx %arg6[%and3A_682], %broadcast_in_dim3A_31 masked %lt3A_677 {add = true} : memref<256xi32, #tpu.memory_space<vmem>>[vector<16xi32>], vector<16xi32>, vector<16xi1>
    }
    %scan3A_69 = arith.constant 1024 : i32
    %scan3A_70 = arith.constant 512 : i32
    %scan3A_71 = arith.constant 0 : i32
    %scan3A_72 = arith.constant 0 : i32
    %scan3A_73 = arith.constant 0 : i32
    %scan3A_74 = arith.constant 0 : i32
    %scan3A_75 = arith.constant 16 : i32
    %scan3A_76 = arith.addi %scan3A_74, %scan3A_75 : i32
    %scan3A_77 = arith.constant 1 : i32
    %scan3A_78:3 = scf.for %scan3A_666 = %scan3A_74 to %scan3A_76 step %scan3A_77 iter_args(%scan3A_667 = %scan3A_71, %scan3A_668 = %scan3A_72, %scan3A_669 = %scan3A_73) -> (i32, i32, i32)  : i32 {
      %mul3A_670 = arith.constant 16 : i32
      %mul3A_671 = arith.muli %scan3A_666, %mul3A_670 : i32
      %get3A_672 = arith.index_cast %mul3A_671 : i32 to index
      %get3A_673 = tpu.vector_load %arg6[%get3A_672] {strides = array<i32>} : memref<256xi32, #tpu.memory_space<vmem>>, vector<16xi32>,
      %broadcast_in_dim3A_674 = arith.constant true
      %broadcast_in_dim3A_675 = vector.broadcast %broadcast_in_dim3A_674 : i1 to vector<16xi1>
      %masked_cumsum3A = tpu.scan <sum>, %get3A_673 masked %broadcast_in_dim3A_675 : vector<16xi32>, vector<16xi1> -> vector<16xi32>
      %add3A_676 = vector.broadcast %scan3A_667 : i32 to vector<16xi32>
      %add3A_677 = arith.addi %add3A_676, %masked_cumsum3A : vector<16xi32>
      %lt3A_678 = vector.broadcast %scan3A_70 : i32 to vector<16xi32>
      %lt3A_679 = arith.cmpi slt, %add3A_677, %lt3A_678 : vector<16xi32>
      %all_reduce_population_count3A = tpu.all_reduce %lt3A_679 {dim = 0 : i64, kind = #tpu.reduction_kind<sum>} : vector<16xi1> -> vector<16xi32>
      %reduce_max3A = arith.constant true
      %reduce_max3A_680 = vector.broadcast %reduce_max3A : i1 to vector<16xi1>
      %reduce_max3A_681 = arith.constant -2147483648 : i32
      %reduce_max3A_682 = vector.broadcast %reduce_max3A_681 : i32 to vector<16xi32>
      %reduce_max3A_683 = arith.xori %all_reduce_population_count3A, %reduce_max3A_682 : vector<16xi32>
      %reduce_max3A_684 = tpu.scan <max>, %reduce_max3A_683 masked %reduce_max3A_680 : vector<16xi32>, vector<16xi1> -> vector<16xi32>
      %reduce_max3A_685 = arith.xori %reduce_max3A_684, %reduce_max3A_682 : vector<16xi32>
      %reduce_max3A_686 = vector.extract %reduce_max3A_685[15] : i32 from vector<16xi32>
      %add3A_687 = arith.addi %scan3A_668, %reduce_max3A_686 : i32
      %select_n3A_688 = arith.select %lt3A_679, %add3A_677, %broadcast_in_dim3A_33 : vector<16xi1>, vector<16xi32>
      %reduce_max3A_689 = arith.constant true
      %reduce_max3A_690 = vector.broadcast %reduce_max3A_689 : i1 to vector<16xi1>
      %reduce_max3A_691 = arith.constant -2147483648 : i32
      %reduce_max3A_692 = vector.broadcast %reduce_max3A_691 : i32 to vector<16xi32>
      %reduce_max3A_693 = arith.xori %select_n3A_688, %reduce_max3A_692 : vector<16xi32>
      %reduce_max3A_694 = tpu.scan <max>, %reduce_max3A_693 masked %reduce_max3A_690 : vector<16xi32>, vector<16xi1> -> vector<16xi32>
      %reduce_max3A_695 = arith.xori %reduce_max3A_694, %reduce_max3A_692 : vector<16xi32>
      %reduce_max3A_696 = vector.extract %reduce_max3A_695[15] : i32 from vector<16xi32>
      %max3A = arith.maxsi %scan3A_669, %reduce_max3A_696 : i32
      %reduce_max3A_697 = arith.constant true
      %reduce_max3A_698 = vector.broadcast %reduce_max3A_697 : i1 to vector<16xi1>
      %reduce_max3A_699 = arith.constant -2147483648 : i32
      %reduce_max3A_700 = vector.broadcast %reduce_max3A_699 : i32 to vector<16xi32>
      %reduce_max3A_701 = arith.xori %add3A_677, %reduce_max3A_700 : vector<16xi32>
      %reduce_max3A_702 = tpu.scan <max>, %reduce_max3A_701 masked %reduce_max3A_698 : vector<16xi32>, vector<16xi1> -> vector<16xi32>
      %reduce_max3A_703 = arith.xori %reduce_max3A_702, %reduce_max3A_700 : vector<16xi32>
      %reduce_max3A_704 = vector.extract %reduce_max3A_703[15] : i32 from vector<16xi32>
      scf.yield %reduce_max3A_704, %add3A_687, %max3A : i32, i32, i32
    }
    %scan3A_79 = arith.constant 16 : i32
    %sub3A_80 = arith.constant 512 : i32
    %sub3A_81 = arith.subi %sub3A_80, %scan3A_78#2 : i32
    %scan3A_82 = arith.constant 0 : i32
    %scan3A_83 = arith.constant 0 : i32
    %scan3A_84 = arith.constant 1024 : i32
    %scan3A_85 = arith.addi %scan3A_83, %scan3A_84 : i32
    %scan3A_86 = arith.constant 1 : i32
    %scan3A_87 = scf.for %scan3A_666 = %scan3A_83 to %scan3A_85 step %scan3A_86 iter_args(%scan3A_667 = %scan3A_82) -> (i32)  : i32 {
      %mul3A_668 = arith.constant 16 : i32
      %mul3A_669 = arith.muli %scan3A_666, %mul3A_668 : i32
      %get3A_670 = arith.index_cast %mul3A_669 : i32 to index
      %get3A_671 = tpu.vector_load %arg5[%get3A_670] {strides = array<i32>} : memref<16384xi32, #tpu.memory_space<vmem>>, vector<16xi32>,
      %mul3A_672 = arith.constant 16 : i32
      %mul3A_673 = arith.muli %scan3A_666, %mul3A_672 : i32
      %add3A_674 = vector.broadcast %mul3A_673 : i32 to vector<16xi32>
      %add3A_675 = arith.addi %add3A_674, %iota3A : vector<16xi32>
      %lt3A_676 = arith.constant 16384 : i32
      %lt3A_677 = vector.broadcast %lt3A_676 : i32 to vector<16xi32>
      %lt3A_678 = arith.cmpi slt, %add3A_675, %lt3A_677 : vector<16xi32>
      %shift_right_logical3A = arith.constant 24 : i32
      %shift_right_logical3A_679 = vector.broadcast %shift_right_logical3A : i32 to vector<16xi32>
      %shift_right_logical3A_680 = arith.shrui %get3A_671, %shift_right_logical3A_679 : vector<16xi32>
      %and3A_681 = arith.constant 255 : i32
      %and3A_682 = vector.broadcast %and3A_681 : i32 to vector<16xi32>
      %and3A_683 = arith.andi %shift_right_logical3A_680, %and3A_682 : vector<16xi32>
      %eq3A_684 = vector.broadcast %scan3A_78#1 : i32 to vector<16xi32>
      %eq3A_685 = arith.cmpi eq, %and3A_683, %eq3A_684 : vector<16xi32>
      %and3A_686 = arith.andi %lt3A_678, %eq3A_685 : vector<16xi1>
      %swap3A_687 = arith.index_cast %scan3A_667 : i32 to index
      %swap3A_688 = tpu.vector_load %arg7[%swap3A_687] masked %and3A_686 {strides = array<i32>} : memref<16400xi32, #tpu.memory_space<vmem>>, vector<16xi32>, vector<16xi1>
      tpu.vector_store %arg7[%swap3A_687], %get3A_671 masked %and3A_686 {strides = array<i32>} : memref<16400xi32, #tpu.memory_space<vmem>>, vector<16xi32>, vector<16xi1>
      %all_reduce_population_count3A = tpu.all_reduce %and3A_686 {dim = 0 : i64, kind = #tpu.reduction_kind<sum>} : vector<16xi1> -> vector<16xi32>
      %reduce_max3A = arith.constant true
      %reduce_max3A_689 = vector.broadcast %reduce_max3A : i1 to vector<16xi1>
      %reduce_max3A_690 = arith.constant -2147483648 : i32
      %reduce_max3A_691 = vector.broadcast %reduce_max3A_690 : i32 to vector<16xi32>
      %reduce_max3A_692 = arith.xori %all_reduce_population_count3A, %reduce_max3A_691 : vector<16xi32>
      %reduce_max3A_693 = tpu.scan <max>, %reduce_max3A_692 masked %reduce_max3A_689 : vector<16xi32>, vector<16xi1> -> vector<16xi32>
      %reduce_max3A_694 = arith.xori %reduce_max3A_693, %reduce_max3A_691 : vector<16xi32>
      %reduce_max3A_695 = vector.extract %reduce_max3A_694[15] : i32 from vector<16xi32>
      %add3A_696 = arith.addi %scan3A_667, %reduce_max3A_695 : i32
      scf.yield %add3A_696 : i32
    }
    %scan3A_88 = arith.constant 1024 : i32
    %swap3A_89 = arith.constant 0 : index
    %swap3A_90 = tpu.vector_load %arg6[%swap3A_89] {strides = array<i32>} : memref<256xi32, #tpu.memory_space<vmem>>, vector<16xi32>,
    tpu.vector_store %arg6[%swap3A_89], %broadcast_in_dim3A_33 {strides = array<i32>} : memref<256xi32, #tpu.memory_space<vmem>>, vector<16xi32>,
    %swap3A_91 = arith.constant 16 : index
    %swap3A_92 = tpu.vector_load %arg6[%swap3A_91] {strides = array<i32>} : memref<256xi32, #tpu.memory_space<vmem>>, vector<16xi32>,
    tpu.vector_store %arg6[%swap3A_91], %broadcast_in_dim3A_33 {strides = array<i32>} : memref<256xi32, #tpu.memory_space<vmem>>, vector<16xi32>,
    %swap3A_93 = arith.constant 32 : index
    %swap3A_94 = tpu.vector_load %arg6[%swap3A_93] {strides = array<i32>} : memref<256xi32, #tpu.memory_space<vmem>>, vector<16xi32>,
    tpu.vector_store %arg6[%swap3A_93], %broadcast_in_dim3A_33 {strides = array<i32>} : memref<256xi32, #tpu.memory_space<vmem>>, vector<16xi32>,
    %swap3A_95 = arith.constant 48 : index
    %swap3A_96 = tpu.vector_load %arg6[%swap3A_95] {strides = array<i32>} : memref<256xi32, #tpu.memory_space<vmem>>, vector<16xi32>,
    tpu.vector_store %arg6[%swap3A_95], %broadcast_in_dim3A_33 {strides = array<i32>} : memref<256xi32, #tpu.memory_space<vmem>>, vector<16xi32>,
    %swap3A_97 = arith.constant 64 : index
    %swap3A_98 = tpu.vector_load %arg6[%swap3A_97] {strides = array<i32>} : memref<256xi32, #tpu.memory_space<vmem>>, vector<16xi32>,
    tpu.vector_store %arg6[%swap3A_97], %broadcast_in_dim3A_33 {strides = array<i32>} : memref<256xi32, #tpu.memory_space<vmem>>, vector<16xi32>,
    %swap3A_99 = arith.constant 80 : index
    %swap3A_100 = tpu.vector_load %arg6[%swap3A_99] {strides = array<i32>} : memref<256xi32, #tpu.memory_space<vmem>>, vector<16xi32>,
    tpu.vector_store %arg6[%swap3A_99], %broadcast_in_dim3A_33 {strides = array<i32>} : memref<256xi32, #tpu.memory_space<vmem>>, vector<16xi32>,
    %swap3A_101 = arith.constant 96 : index
    %swap3A_102 = tpu.vector_load %arg6[%swap3A_101] {strides = array<i32>} : memref<256xi32, #tpu.memory_space<vmem>>, vector<16xi32>,
    tpu.vector_store %arg6[%swap3A_101], %broadcast_in_dim3A_33 {strides = array<i32>} : memref<256xi32, #tpu.memory_space<vmem>>, vector<16xi32>,
    %swap3A_103 = arith.constant 112 : index
    %swap3A_104 = tpu.vector_load %arg6[%swap3A_103] {strides = array<i32>} : memref<256xi32, #tpu.memory_space<vmem>>, vector<16xi32>,
    tpu.vector_store %arg6[%swap3A_103], %broadcast_in_dim3A_33 {strides = array<i32>} : memref<256xi32, #tpu.memory_space<vmem>>, vector<16xi32>,
    %swap3A_105 = arith.constant 128 : index
    %swap3A_106 = tpu.vector_load %arg6[%swap3A_105] {strides = array<i32>} : memref<256xi32, #tpu.memory_space<vmem>>, vector<16xi32>,
    tpu.vector_store %arg6[%swap3A_105], %broadcast_in_dim3A_33 {strides = array<i32>} : memref<256xi32, #tpu.memory_space<vmem>>, vector<16xi32>,
    %swap3A_107 = arith.constant 144 : index
    %swap3A_108 = tpu.vector_load %arg6[%swap3A_107] {strides = array<i32>} : memref<256xi32, #tpu.memory_space<vmem>>, vector<16xi32>,
    tpu.vector_store %arg6[%swap3A_107], %broadcast_in_dim3A_33 {strides = array<i32>} : memref<256xi32, #tpu.memory_space<vmem>>, vector<16xi32>,
    %swap3A_109 = arith.constant 160 : index
    %swap3A_110 = tpu.vector_load %arg6[%swap3A_109] {strides = array<i32>} : memref<256xi32, #tpu.memory_space<vmem>>, vector<16xi32>,
    tpu.vector_store %arg6[%swap3A_109], %broadcast_in_dim3A_33 {strides = array<i32>} : memref<256xi32, #tpu.memory_space<vmem>>, vector<16xi32>,
    %swap3A_111 = arith.constant 176 : index
    %swap3A_112 = tpu.vector_load %arg6[%swap3A_111] {strides = array<i32>} : memref<256xi32, #tpu.memory_space<vmem>>, vector<16xi32>,
    tpu.vector_store %arg6[%swap3A_111], %broadcast_in_dim3A_33 {strides = array<i32>} : memref<256xi32, #tpu.memory_space<vmem>>, vector<16xi32>,
    %swap3A_113 = arith.constant 192 : index
    %swap3A_114 = tpu.vector_load %arg6[%swap3A_113] {strides = array<i32>} : memref<256xi32, #tpu.memory_space<vmem>>, vector<16xi32>,
    tpu.vector_store %arg6[%swap3A_113], %broadcast_in_dim3A_33 {strides = array<i32>} : memref<256xi32, #tpu.memory_space<vmem>>, vector<16xi32>,
    %swap3A_115 = arith.constant 208 : index
    %swap3A_116 = tpu.vector_load %arg6[%swap3A_115] {strides = array<i32>} : memref<256xi32, #tpu.memory_space<vmem>>, vector<16xi32>,
    tpu.vector_store %arg6[%swap3A_115], %broadcast_in_dim3A_33 {strides = array<i32>} : memref<256xi32, #tpu.memory_space<vmem>>, vector<16xi32>,
    %swap3A_117 = arith.constant 224 : index
    %swap3A_118 = tpu.vector_load %arg6[%swap3A_117] {strides = array<i32>} : memref<256xi32, #tpu.memory_space<vmem>>, vector<16xi32>,
    tpu.vector_store %arg6[%swap3A_117], %broadcast_in_dim3A_33 {strides = array<i32>} : memref<256xi32, #tpu.memory_space<vmem>>, vector<16xi32>,
    %swap3A_119 = arith.constant 240 : index
    %swap3A_120 = tpu.vector_load %arg6[%swap3A_119] {strides = array<i32>} : memref<256xi32, #tpu.memory_space<vmem>>, vector<16xi32>,
    tpu.vector_store %arg6[%swap3A_119], %broadcast_in_dim3A_33 {strides = array<i32>} : memref<256xi32, #tpu.memory_space<vmem>>, vector<16xi32>,
    %add3A_121 = arith.constant 16 : i32
    %add3A_122 = arith.addi %scan3A_87, %add3A_121 : i32
    %sub3A_123 = arith.constant 1 : i32
    %sub3A_124 = arith.subi %add3A_122, %sub3A_123 : i32
    %jit3A_125 = arith.constant 16 : i32
    %div3A_126 = arith.divsi %sub3A_124, %jit3A_125 : i32
    %sign3A_127 = arith.constant 0 : i32
    %sign3A_128 = arith.cmpi sgt, %sub3A_124, %sign3A_127 : i32
    %sign3A_129 = arith.extui %sign3A_128 : i1 to i32
    %sign3A_130 = arith.constant 0 : i32
    %sign3A_131 = arith.cmpi slt, %sub3A_124, %sign3A_130 : i32
    %sign3A_132 = arith.extui %sign3A_131 : i1 to i32
    %sign3A_133 = arith.subi %sign3A_129, %sign3A_132 : i32
    %sign3A_134 = arith.constant 0 : i32
    %sign3A_135 = arith.cmpi sgt, %jit3A_125, %sign3A_134 : i32
    %sign3A_136 = arith.extui %sign3A_135 : i1 to i32
    %sign3A_137 = arith.constant 0 : i32
    %sign3A_138 = arith.cmpi slt, %jit3A_125, %sign3A_137 : i32
    %sign3A_139 = arith.extui %sign3A_138 : i1 to i32
    %sign3A_140 = arith.subi %sign3A_136, %sign3A_139 : i32
    %ne3A_141 = arith.cmpi ne, %sign3A_133, %sign3A_140 : i32
    %rem3A_142 = arith.remsi %sub3A_124, %jit3A_125 : i32
    %ne3A_143 = arith.constant 0 : i32
    %ne3A_144 = arith.cmpi ne, %rem3A_142, %ne3A_143 : i32
    %and3A_145 = arith.andi %ne3A_141, %ne3A_144 : i1
    %sub3A_146 = arith.constant 1 : i32
    %sub3A_147 = arith.subi %div3A_126, %sub3A_146 : i32
    %select_n3A_148 = arith.select %and3A_145, %sub3A_147, %div3A_126 : i32
    %while3A = arith.constant 0 : i32
    %while3A_149 = arith.constant 0 : i32
    %while3A_150 = arith.subi %select_n3A_148, %while3A_149 : i32
    %while3A_151 = arith.addi %while3A_149, %while3A_150 : i32
    %while3A_152 = arith.constant 1 : i32
    %while3A_153 = arith.divsi %while3A_150, %while3A_152 : i32
    %while3A_154 = arith.muli %while3A_153, %while3A_152 : i32
    %while3A_155 = arith.addi %while3A_149, %while3A_154 : i32
    %while3A_156 = arith.constant 1 : i32
    scf.for %while3A_666 = %while3A_149 to %while3A_155 step %while3A_156  : i32 {
      %mul3A_667 = arith.constant 16 : i32
      %mul3A_668 = arith.muli %while3A_666, %mul3A_667 : i32
      %get3A_669 = arith.index_cast %mul3A_668 : i32 to index
      %get3A_670 = tpu.vector_load %arg7[%get3A_669] {strides = array<i32>} : memref<16400xi32, #tpu.memory_space<vmem>>, vector<16xi32>,
      %mul3A_671 = arith.constant 16 : i32
      %mul3A_672 = arith.muli %while3A_666, %mul3A_671 : i32
      %add3A_673 = vector.broadcast %mul3A_672 : i32 to vector<16xi32>
      %add3A_674 = arith.addi %add3A_673, %iota3A : vector<16xi32>
      %lt3A_675 = vector.broadcast %scan3A_87 : i32 to vector<16xi32>
      %lt3A_676 = arith.cmpi slt, %add3A_674, %lt3A_675 : vector<16xi32>
      %shift_right_logical3A = arith.constant 16 : i32
      %shift_right_logical3A_677 = vector.broadcast %shift_right_logical3A : i32 to vector<16xi32>
      %shift_right_logical3A_678 = arith.shrui %get3A_670, %shift_right_logical3A_677 : vector<16xi32>
      %and3A_679 = arith.constant 255 : i32
      %and3A_680 = vector.broadcast %and3A_679 : i32 to vector<16xi32>
      %and3A_681 = arith.andi %shift_right_logical3A_678, %and3A_680 : vector<16xi32>
      tpu.vector_store_idx %arg6[%and3A_681], %broadcast_in_dim3A_31 masked %lt3A_676 {add = true} : memref<256xi32, #tpu.memory_space<vmem>>[vector<16xi32>], vector<16xi32>, vector<16xi1>
    }
    %while3A_157 = arith.constant 1 : i32
    scf.for %while3A_666 = %while3A_155 to %while3A_151 step %while3A_157  : i32 {
      %mul3A_667 = arith.constant 16 : i32
      %mul3A_668 = arith.muli %while3A_666, %mul3A_667 : i32
      %get3A_669 = arith.index_cast %mul3A_668 : i32 to index
      %get3A_670 = tpu.vector_load %arg7[%get3A_669] {strides = array<i32>} : memref<16400xi32, #tpu.memory_space<vmem>>, vector<16xi32>,
      %mul3A_671 = arith.constant 16 : i32
      %mul3A_672 = arith.muli %while3A_666, %mul3A_671 : i32
      %add3A_673 = vector.broadcast %mul3A_672 : i32 to vector<16xi32>
      %add3A_674 = arith.addi %add3A_673, %iota3A : vector<16xi32>
      %lt3A_675 = vector.broadcast %scan3A_87 : i32 to vector<16xi32>
      %lt3A_676 = arith.cmpi slt, %add3A_674, %lt3A_675 : vector<16xi32>
      %shift_right_logical3A = arith.constant 16 : i32
      %shift_right_logical3A_677 = vector.broadcast %shift_right_logical3A : i32 to vector<16xi32>
      %shift_right_logical3A_678 = arith.shrui %get3A_670, %shift_right_logical3A_677 : vector<16xi32>
      %and3A_679 = arith.constant 255 : i32
      %and3A_680 = vector.broadcast %and3A_679 : i32 to vector<16xi32>
      %and3A_681 = arith.andi %shift_right_logical3A_678, %and3A_680 : vector<16xi32>
      tpu.vector_store_idx %arg6[%and3A_681], %broadcast_in_dim3A_31 masked %lt3A_676 {add = true} : memref<256xi32, #tpu.memory_space<vmem>>[vector<16xi32>], vector<16xi32>, vector<16xi1>
    }
    %scan3A_158 = arith.constant 0 : i32
    %scan3A_159 = arith.constant 0 : i32
    %scan3A_160 = arith.constant 0 : i32
    %scan3A_161 = arith.constant 0 : i32
    %scan3A_162 = arith.constant 16 : i32
    %scan3A_163 = arith.addi %scan3A_161, %scan3A_162 : i32
    %scan3A_164 = arith.constant 1 : i32
    %scan3A_165:3 = scf.for %scan3A_666 = %scan3A_161 to %scan3A_163 step %scan3A_164 iter_args(%scan3A_667 = %scan3A_158, %scan3A_668 = %scan3A_159, %scan3A_669 = %scan3A_160) -> (i32, i32, i32)  : i32 {
      %mul3A_670 = arith.constant 16 : i32
      %mul3A_671 = arith.muli %scan3A_666, %mul3A_670 : i32
      %get3A_672 = arith.index_cast %mul3A_671 : i32 to index
      %get3A_673 = tpu.vector_load %arg6[%get3A_672] {strides = array<i32>} : memref<256xi32, #tpu.memory_space<vmem>>, vector<16xi32>,
      %broadcast_in_dim3A_674 = arith.constant true
      %broadcast_in_dim3A_675 = vector.broadcast %broadcast_in_dim3A_674 : i1 to vector<16xi1>
      %masked_cumsum3A = tpu.scan <sum>, %get3A_673 masked %broadcast_in_dim3A_675 : vector<16xi32>, vector<16xi1> -> vector<16xi32>
      %add3A_676 = vector.broadcast %scan3A_667 : i32 to vector<16xi32>
      %add3A_677 = arith.addi %add3A_676, %masked_cumsum3A : vector<16xi32>
      %lt3A_678 = vector.broadcast %sub3A_81 : i32 to vector<16xi32>
      %lt3A_679 = arith.cmpi slt, %add3A_677, %lt3A_678 : vector<16xi32>
      %all_reduce_population_count3A = tpu.all_reduce %lt3A_679 {dim = 0 : i64, kind = #tpu.reduction_kind<sum>} : vector<16xi1> -> vector<16xi32>
      %reduce_max3A = arith.constant true
      %reduce_max3A_680 = vector.broadcast %reduce_max3A : i1 to vector<16xi1>
      %reduce_max3A_681 = arith.constant -2147483648 : i32
      %reduce_max3A_682 = vector.broadcast %reduce_max3A_681 : i32 to vector<16xi32>
      %reduce_max3A_683 = arith.xori %all_reduce_population_count3A, %reduce_max3A_682 : vector<16xi32>
      %reduce_max3A_684 = tpu.scan <max>, %reduce_max3A_683 masked %reduce_max3A_680 : vector<16xi32>, vector<16xi1> -> vector<16xi32>
      %reduce_max3A_685 = arith.xori %reduce_max3A_684, %reduce_max3A_682 : vector<16xi32>
      %reduce_max3A_686 = vector.extract %reduce_max3A_685[15] : i32 from vector<16xi32>
      %add3A_687 = arith.addi %scan3A_668, %reduce_max3A_686 : i32
      %select_n3A_688 = arith.select %lt3A_679, %add3A_677, %broadcast_in_dim3A_33 : vector<16xi1>, vector<16xi32>
      %reduce_max3A_689 = arith.constant true
      %reduce_max3A_690 = vector.broadcast %reduce_max3A_689 : i1 to vector<16xi1>
      %reduce_max3A_691 = arith.constant -2147483648 : i32
      %reduce_max3A_692 = vector.broadcast %reduce_max3A_691 : i32 to vector<16xi32>
      %reduce_max3A_693 = arith.xori %select_n3A_688, %reduce_max3A_692 : vector<16xi32>
      %reduce_max3A_694 = tpu.scan <max>, %reduce_max3A_693 masked %reduce_max3A_690 : vector<16xi32>, vector<16xi1> -> vector<16xi32>
      %reduce_max3A_695 = arith.xori %reduce_max3A_694, %reduce_max3A_692 : vector<16xi32>
      %reduce_max3A_696 = vector.extract %reduce_max3A_695[15] : i32 from vector<16xi32>
      %max3A = arith.maxsi %scan3A_669, %reduce_max3A_696 : i32
      %reduce_max3A_697 = arith.constant true
      %reduce_max3A_698 = vector.broadcast %reduce_max3A_697 : i1 to vector<16xi1>
      %reduce_max3A_699 = arith.constant -2147483648 : i32
      %reduce_max3A_700 = vector.broadcast %reduce_max3A_699 : i32 to vector<16xi32>
      %reduce_max3A_701 = arith.xori %add3A_677, %reduce_max3A_700 : vector<16xi32>
      %reduce_max3A_702 = tpu.scan <max>, %reduce_max3A_701 masked %reduce_max3A_698 : vector<16xi32>, vector<16xi1> -> vector<16xi32>
      %reduce_max3A_703 = arith.xori %reduce_max3A_702, %reduce_max3A_700 : vector<16xi32>
      %reduce_max3A_704 = vector.extract %reduce_max3A_703[15] : i32 from vector<16xi32>
      scf.yield %reduce_max3A_704, %add3A_687, %max3A : i32, i32, i32
    }
    %scan3A_166 = arith.constant 16 : i32
    %sub3A_167 = arith.subi %sub3A_81, %scan3A_165#2 : i32
    %while3A_168 = arith.constant 0 : i32
    %while3A_169 = arith.constant 0 : i32
    %while3A_170 = arith.subi %select_n3A_148, %while3A_168 : i32
    %while3A_171 = arith.addi %while3A_168, %while3A_170 : i32
    %while3A_172 = arith.constant 1 : i32
    %while3A_173 = arith.divsi %while3A_170, %while3A_172 : i32
    %while3A_174 = arith.muli %while3A_173, %while3A_172 : i32
    %while3A_175 = arith.addi %while3A_168, %while3A_174 : i32
    %while3A_176 = arith.constant 1 : i32
    %while3A_177 = scf.for %while3A_666 = %while3A_168 to %while3A_175 step %while3A_176 iter_args(%while3A_667 = %while3A_169) -> (i32)  : i32 {
      %mul3A_668 = arith.constant 16 : i32
      %mul3A_669 = arith.muli %while3A_666, %mul3A_668 : i32
      %get3A_670 = arith.index_cast %mul3A_669 : i32 to index
      %get3A_671 = tpu.vector_load %arg7[%get3A_670] {strides = array<i32>} : memref<16400xi32, #tpu.memory_space<vmem>>, vector<16xi32>,
      %mul3A_672 = arith.constant 16 : i32
      %mul3A_673 = arith.muli %while3A_666, %mul3A_672 : i32
      %add3A_674 = vector.broadcast %mul3A_673 : i32 to vector<16xi32>
      %add3A_675 = arith.addi %add3A_674, %iota3A : vector<16xi32>
      %lt3A_676 = vector.broadcast %scan3A_87 : i32 to vector<16xi32>
      %lt3A_677 = arith.cmpi slt, %add3A_675, %lt3A_676 : vector<16xi32>
      %shift_right_logical3A = arith.constant 16 : i32
      %shift_right_logical3A_678 = vector.broadcast %shift_right_logical3A : i32 to vector<16xi32>
      %shift_right_logical3A_679 = arith.shrui %get3A_671, %shift_right_logical3A_678 : vector<16xi32>
      %and3A_680 = arith.constant 255 : i32
      %and3A_681 = vector.broadcast %and3A_680 : i32 to vector<16xi32>
      %and3A_682 = arith.andi %shift_right_logical3A_679, %and3A_681 : vector<16xi32>
      %eq3A_683 = vector.broadcast %scan3A_165#1 : i32 to vector<16xi32>
      %eq3A_684 = arith.cmpi eq, %and3A_682, %eq3A_683 : vector<16xi32>
      %and3A_685 = arith.andi %lt3A_677, %eq3A_684 : vector<16xi1>
      %swap3A_686 = arith.index_cast %while3A_667 : i32 to index
      %swap3A_687 = tpu.vector_load %arg8[%swap3A_686] masked %and3A_685 {strides = array<i32>} : memref<16400xi32, #tpu.memory_space<vmem>>, vector<16xi32>, vector<16xi1>
      tpu.vector_store %arg8[%swap3A_686], %get3A_671 masked %and3A_685 {strides = array<i32>} : memref<16400xi32, #tpu.memory_space<vmem>>, vector<16xi32>, vector<16xi1>
      %all_reduce_population_count3A = tpu.all_reduce %and3A_685 {dim = 0 : i64, kind = #tpu.reduction_kind<sum>} : vector<16xi1> -> vector<16xi32>
      %reduce_max3A = arith.constant true
      %reduce_max3A_688 = vector.broadcast %reduce_max3A : i1 to vector<16xi1>
      %reduce_max3A_689 = arith.constant -2147483648 : i32
      %reduce_max3A_690 = vector.broadcast %reduce_max3A_689 : i32 to vector<16xi32>
      %reduce_max3A_691 = arith.xori %all_reduce_population_count3A, %reduce_max3A_690 : vector<16xi32>
      %reduce_max3A_692 = tpu.scan <max>, %reduce_max3A_691 masked %reduce_max3A_688 : vector<16xi32>, vector<16xi1> -> vector<16xi32>
      %reduce_max3A_693 = arith.xori %reduce_max3A_692, %reduce_max3A_690 : vector<16xi32>
      %reduce_max3A_694 = vector.extract %reduce_max3A_693[15] : i32 from vector<16xi32>
      %add3A_695 = arith.addi %while3A_667, %reduce_max3A_694 : i32
      scf.yield %add3A_695 : i32
    }
    %while3A_178 = arith.constant 1 : i32
    %while3A_179 = scf.for %while3A_666 = %while3A_175 to %while3A_171 step %while3A_178 iter_args(%while3A_667 = %while3A_177) -> (i32)  : i32 {
      %mul3A_668 = arith.constant 16 : i32
      %mul3A_669 = arith.muli %while3A_666, %mul3A_668 : i32
      %get3A_670 = arith.index_cast %mul3A_669 : i32 to index
      %get3A_671 = tpu.vector_load %arg7[%get3A_670] {strides = array<i32>} : memref<16400xi32, #tpu.memory_space<vmem>>, vector<16xi32>,
      %mul3A_672 = arith.constant 16 : i32
      %mul3A_673 = arith.muli %while3A_666, %mul3A_672 : i32
      %add3A_674 = vector.broadcast %mul3A_673 : i32 to vector<16xi32>
      %add3A_675 = arith.addi %add3A_674, %iota3A : vector<16xi32>
      %lt3A_676 = vector.broadcast %scan3A_87 : i32 to vector<16xi32>
      %lt3A_677 = arith.cmpi slt, %add3A_675, %lt3A_676 : vector<16xi32>
      %shift_right_logical3A = arith.constant 16 : i32
      %shift_right_logical3A_678 = vector.broadcast %shift_right_logical3A : i32 to vector<16xi32>
      %shift_right_logical3A_679 = arith.shrui %get3A_671, %shift_right_logical3A_678 : vector<16xi32>
      %and3A_680 = arith.constant 255 : i32
      %and3A_681 = vector.broadcast %and3A_680 : i32 to vector<16xi32>
      %and3A_682 = arith.andi %shift_right_logical3A_679, %and3A_681 : vector<16xi32>
      %eq3A_683 = vector.broadcast %scan3A_165#1 : i32 to vector<16xi32>
      %eq3A_684 = arith.cmpi eq, %and3A_682, %eq3A_683 : vector<16xi32>
      %and3A_685 = arith.andi %lt3A_677, %eq3A_684 : vector<16xi1>
      %swap3A_686 = arith.index_cast %while3A_667 : i32 to index
      %swap3A_687 = tpu.vector_load %arg8[%swap3A_686] masked %and3A_685 {strides = array<i32>} : memref<16400xi32, #tpu.memory_space<vmem>>, vector<16xi32>, vector<16xi1>
      tpu.vector_store %arg8[%swap3A_686], %get3A_671 masked %and3A_685 {strides = array<i32>} : memref<16400xi32, #tpu.memory_space<vmem>>, vector<16xi32>, vector<16xi1>
      %all_reduce_population_count3A = tpu.all_reduce %and3A_685 {dim = 0 : i64, kind = #tpu.reduction_kind<sum>} : vector<16xi1> -> vector<16xi32>
      %reduce_max3A = arith.constant true
      %reduce_max3A_688 = vector.broadcast %reduce_max3A : i1 to vector<16xi1>
      %reduce_max3A_689 = arith.constant -2147483648 : i32
      %reduce_max3A_690 = vector.broadcast %reduce_max3A_689 : i32 to vector<16xi32>
      %reduce_max3A_691 = arith.xori %all_reduce_population_count3A, %reduce_max3A_690 : vector<16xi32>
      %reduce_max3A_692 = tpu.scan <max>, %reduce_max3A_691 masked %reduce_max3A_688 : vector<16xi32>, vector<16xi1> -> vector<16xi32>
      %reduce_max3A_693 = arith.xori %reduce_max3A_692, %reduce_max3A_690 : vector<16xi32>
      %reduce_max3A_694 = vector.extract %reduce_max3A_693[15] : i32 from vector<16xi32>
      %add3A_695 = arith.addi %while3A_667, %reduce_max3A_694 : i32
      scf.yield %add3A_695 : i32
    }
    %swap3A_180 = arith.constant 0 : index
    %swap3A_181 = tpu.vector_load %arg6[%swap3A_180] {strides = array<i32>} : memref<256xi32, #tpu.memory_space<vmem>>, vector<16xi32>,
    tpu.vector_store %arg6[%swap3A_180], %broadcast_in_dim3A_33 {strides = array<i32>} : memref<256xi32, #tpu.memory_space<vmem>>, vector<16xi32>,
    %swap3A_182 = arith.constant 16 : index
    %swap3A_183 = tpu.vector_load %arg6[%swap3A_182] {strides = array<i32>} : memref<256xi32, #tpu.memory_space<vmem>>, vector<16xi32>,
    tpu.vector_store %arg6[%swap3A_182], %broadcast_in_dim3A_33 {strides = array<i32>} : memref<256xi32, #tpu.memory_space<vmem>>, vector<16xi32>,
    %swap3A_184 = arith.constant 32 : index
    %swap3A_185 = tpu.vector_load %arg6[%swap3A_184] {strides = array<i32>} : memref<256xi32, #tpu.memory_space<vmem>>, vector<16xi32>,
    tpu.vector_store %arg6[%swap3A_184], %broadcast_in_dim3A_33 {strides = array<i32>} : memref<256xi32, #tpu.memory_space<vmem>>, vector<16xi32>,
    %swap3A_186 = arith.constant 48 : index
    %swap3A_187 = tpu.vector_load %arg6[%swap3A_186] {strides = array<i32>} : memref<256xi32, #tpu.memory_space<vmem>>, vector<16xi32>,
    tpu.vector_store %arg6[%swap3A_186], %broadcast_in_dim3A_33 {strides = array<i32>} : memref<256xi32, #tpu.memory_space<vmem>>, vector<16xi32>,
    %swap3A_188 = arith.constant 64 : index
    %swap3A_189 = tpu.vector_load %arg6[%swap3A_188] {strides = array<i32>} : memref<256xi32, #tpu.memory_space<vmem>>, vector<16xi32>,
    tpu.vector_store %arg6[%swap3A_188], %broadcast_in_dim3A_33 {strides = array<i32>} : memref<256xi32, #tpu.memory_space<vmem>>, vector<16xi32>,
    %swap3A_190 = arith.constant 80 : index
    %swap3A_191 = tpu.vector_load %arg6[%swap3A_190] {strides = array<i32>} : memref<256xi32, #tpu.memory_space<vmem>>, vector<16xi32>,
    tpu.vector_store %arg6[%swap3A_190], %broadcast_in_dim3A_33 {strides = array<i32>} : memref<256xi32, #tpu.memory_space<vmem>>, vector<16xi32>,
    %swap3A_192 = arith.constant 96 : index
    %swap3A_193 = tpu.vector_load %arg6[%swap3A_192] {strides = array<i32>} : memref<256xi32, #tpu.memory_space<vmem>>, vector<16xi32>,
    tpu.vector_store %arg6[%swap3A_192], %broadcast_in_dim3A_33 {strides = array<i32>} : memref<256xi32, #tpu.memory_space<vmem>>, vector<16xi32>,
    %swap3A_194 = arith.constant 112 : index
    %swap3A_195 = tpu.vector_load %arg6[%swap3A_194] {strides = array<i32>} : memref<256xi32, #tpu.memory_space<vmem>>, vector<16xi32>,
    tpu.vector_store %arg6[%swap3A_194], %broadcast_in_dim3A_33 {strides = array<i32>} : memref<256xi32, #tpu.memory_space<vmem>>, vector<16xi32>,
    %swap3A_196 = arith.constant 128 : index
    %swap3A_197 = tpu.vector_load %arg6[%swap3A_196] {strides = array<i32>} : memref<256xi32, #tpu.memory_space<vmem>>, vector<16xi32>,
    tpu.vector_store %arg6[%swap3A_196], %broadcast_in_dim3A_33 {strides = array<i32>} : memref<256xi32, #tpu.memory_space<vmem>>, vector<16xi32>,
    %swap3A_198 = arith.constant 144 : index
    %swap3A_199 = tpu.vector_load %arg6[%swap3A_198] {strides = array<i32>} : memref<256xi32, #tpu.memory_space<vmem>>, vector<16xi32>,
    tpu.vector_store %arg6[%swap3A_198], %broadcast_in_dim3A_33 {strides = array<i32>} : memref<256xi32, #tpu.memory_space<vmem>>, vector<16xi32>,
    %swap3A_200 = arith.constant 160 : index
    %swap3A_201 = tpu.vector_load %arg6[%swap3A_200] {strides = array<i32>} : memref<256xi32, #tpu.memory_space<vmem>>, vector<16xi32>,
    tpu.vector_store %arg6[%swap3A_200], %broadcast_in_dim3A_33 {strides = array<i32>} : memref<256xi32, #tpu.memory_space<vmem>>, vector<16xi32>,
    %swap3A_202 = arith.constant 176 : index
    %swap3A_203 = tpu.vector_load %arg6[%swap3A_202] {strides = array<i32>} : memref<256xi32, #tpu.memory_space<vmem>>, vector<16xi32>,
    tpu.vector_store %arg6[%swap3A_202], %broadcast_in_dim3A_33 {strides = array<i32>} : memref<256xi32, #tpu.memory_space<vmem>>, vector<16xi32>,
    %swap3A_204 = arith.constant 192 : index
    %swap3A_205 = tpu.vector_load %arg6[%swap3A_204] {strides = array<i32>} : memref<256xi32, #tpu.memory_space<vmem>>, vector<16xi32>,
    tpu.vector_store %arg6[%swap3A_204], %broadcast_in_dim3A_33 {strides = array<i32>} : memref<256xi32, #tpu.memory_space<vmem>>, vector<16xi32>,
    %swap3A_206 = arith.constant 208 : index
    %swap3A_207 = tpu.vector_load %arg6[%swap3A_206] {strides = array<i32>} : memref<256xi32, #tpu.memory_space<vmem>>, vector<16xi32>,
    tpu.vector_store %arg6[%swap3A_206], %broadcast_in_dim3A_33 {strides = array<i32>} : memref<256xi32, #tpu.memory_space<vmem>>, vector<16xi32>,
    %swap3A_208 = arith.constant 224 : index
    %swap3A_209 = tpu.vector_load %arg6[%swap3A_208] {strides = array<i32>} : memref<256xi32, #tpu.memory_space<vmem>>, vector<16xi32>,
    tpu.vector_store %arg6[%swap3A_208], %broadcast_in_dim3A_33 {strides = array<i32>} : memref<256xi32, #tpu.memory_space<vmem>>, vector<16xi32>,
    %swap3A_210 = arith.constant 240 : index
    %swap3A_211 = tpu.vector_load %arg6[%swap3A_210] {strides = array<i32>} : memref<256xi32, #tpu.memory_space<vmem>>, vector<16xi32>,
    tpu.vector_store %arg6[%swap3A_210], %broadcast_in_dim3A_33 {strides = array<i32>} : memref<256xi32, #tpu.memory_space<vmem>>, vector<16xi32>,
    %add3A_212 = arith.constant 16 : i32
    %add3A_213 = arith.addi %while3A_179, %add3A_212 : i32
    %sub3A_214 = arith.constant 1 : i32
    %sub3A_215 = arith.subi %add3A_213, %sub3A_214 : i32
    %jit3A_216 = arith.constant 16 : i32
    %div3A_217 = arith.divsi %sub3A_215, %jit3A_216 : i32
    %sign3A_218 = arith.constant 0 : i32
    %sign3A_219 = arith.cmpi sgt, %sub3A_215, %sign3A_218 : i32
    %sign3A_220 = arith.extui %sign3A_219 : i1 to i32
    %sign3A_221 = arith.constant 0 : i32
    %sign3A_222 = arith.cmpi slt, %sub3A_215, %sign3A_221 : i32
    %sign3A_223 = arith.extui %sign3A_222 : i1 to i32
    %sign3A_224 = arith.subi %sign3A_220, %sign3A_223 : i32
    %sign3A_225 = arith.constant 0 : i32
    %sign3A_226 = arith.cmpi sgt, %jit3A_216, %sign3A_225 : i32
    %sign3A_227 = arith.extui %sign3A_226 : i1 to i32
    %sign3A_228 = arith.constant 0 : i32
    %sign3A_229 = arith.cmpi slt, %jit3A_216, %sign3A_228 : i32
    %sign3A_230 = arith.extui %sign3A_229 : i1 to i32
    %sign3A_231 = arith.subi %sign3A_227, %sign3A_230 : i32
    %ne3A_232 = arith.cmpi ne, %sign3A_224, %sign3A_231 : i32
    %rem3A_233 = arith.remsi %sub3A_215, %jit3A_216 : i32
    %ne3A_234 = arith.constant 0 : i32
    %ne3A_235 = arith.cmpi ne, %rem3A_233, %ne3A_234 : i32
    %and3A_236 = arith.andi %ne3A_232, %ne3A_235 : i1
    %sub3A_237 = arith.constant 1 : i32
    %sub3A_238 = arith.subi %div3A_217, %sub3A_237 : i32
    %select_n3A_239 = arith.select %and3A_236, %sub3A_238, %div3A_217 : i32
    %while3A_240 = arith.constant 0 : i32
    %while3A_241 = arith.constant 0 : i32
    %while3A_242 = arith.subi %select_n3A_239, %while3A_241 : i32
    %while3A_243 = arith.addi %while3A_241, %while3A_242 : i32
    %while3A_244 = arith.constant 1 : i32
    %while3A_245 = arith.divsi %while3A_242, %while3A_244 : i32
    %while3A_246 = arith.muli %while3A_245, %while3A_244 : i32
    %while3A_247 = arith.addi %while3A_241, %while3A_246 : i32
    %while3A_248 = arith.constant 1 : i32
    scf.for %while3A_666 = %while3A_241 to %while3A_247 step %while3A_248  : i32 {
      %mul3A_667 = arith.constant 16 : i32
      %mul3A_668 = arith.muli %while3A_666, %mul3A_667 : i32
      %get3A_669 = arith.index_cast %mul3A_668 : i32 to index
      %get3A_670 = tpu.vector_load %arg8[%get3A_669] {strides = array<i32>} : memref<16400xi32, #tpu.memory_space<vmem>>, vector<16xi32>,
      %mul3A_671 = arith.constant 16 : i32
      %mul3A_672 = arith.muli %while3A_666, %mul3A_671 : i32
      %add3A_673 = vector.broadcast %mul3A_672 : i32 to vector<16xi32>
      %add3A_674 = arith.addi %add3A_673, %iota3A : vector<16xi32>
      %lt3A_675 = vector.broadcast %while3A_179 : i32 to vector<16xi32>
      %lt3A_676 = arith.cmpi slt, %add3A_674, %lt3A_675 : vector<16xi32>
      %shift_right_logical3A = arith.constant 8 : i32
      %shift_right_logical3A_677 = vector.broadcast %shift_right_logical3A : i32 to vector<16xi32>
      %shift_right_logical3A_678 = arith.shrui %get3A_670, %shift_right_logical3A_677 : vector<16xi32>
      %and3A_679 = arith.constant 255 : i32
      %and3A_680 = vector.broadcast %and3A_679 : i32 to vector<16xi32>
      %and3A_681 = arith.andi %shift_right_logical3A_678, %and3A_680 : vector<16xi32>
      tpu.vector_store_idx %arg6[%and3A_681], %broadcast_in_dim3A_31 masked %lt3A_676 {add = true} : memref<256xi32, #tpu.memory_space<vmem>>[vector<16xi32>], vector<16xi32>, vector<16xi1>
    }
    %while3A_249 = arith.constant 1 : i32
    scf.for %while3A_666 = %while3A_247 to %while3A_243 step %while3A_249  : i32 {
      %mul3A_667 = arith.constant 16 : i32
      %mul3A_668 = arith.muli %while3A_666, %mul3A_667 : i32
      %get3A_669 = arith.index_cast %mul3A_668 : i32 to index
      %get3A_670 = tpu.vector_load %arg8[%get3A_669] {strides = array<i32>} : memref<16400xi32, #tpu.memory_space<vmem>>, vector<16xi32>,
      %mul3A_671 = arith.constant 16 : i32
      %mul3A_672 = arith.muli %while3A_666, %mul3A_671 : i32
      %add3A_673 = vector.broadcast %mul3A_672 : i32 to vector<16xi32>
      %add3A_674 = arith.addi %add3A_673, %iota3A : vector<16xi32>
      %lt3A_675 = vector.broadcast %while3A_179 : i32 to vector<16xi32>
      %lt3A_676 = arith.cmpi slt, %add3A_674, %lt3A_675 : vector<16xi32>
      %shift_right_logical3A = arith.constant 8 : i32
      %shift_right_logical3A_677 = vector.broadcast %shift_right_logical3A : i32 to vector<16xi32>
      %shift_right_logical3A_678 = arith.shrui %get3A_670, %shift_right_logical3A_677 : vector<16xi32>
      %and3A_679 = arith.constant 255 : i32
      %and3A_680 = vector.broadcast %and3A_679 : i32 to vector<16xi32>
      %and3A_681 = arith.andi %shift_right_logical3A_678, %and3A_680 : vector<16xi32>
      tpu.vector_store_idx %arg6[%and3A_681], %broadcast_in_dim3A_31 masked %lt3A_676 {add = true} : memref<256xi32, #tpu.memory_space<vmem>>[vector<16xi32>], vector<16xi32>, vector<16xi1>
    }
    %scan3A_250 = arith.constant 0 : i32
    %scan3A_251 = arith.constant 0 : i32
    %scan3A_252 = arith.constant 0 : i32
    %scan3A_253 = arith.constant 0 : i32
    %scan3A_254 = arith.constant 16 : i32
    %scan3A_255 = arith.addi %scan3A_253, %scan3A_254 : i32
    %scan3A_256 = arith.constant 1 : i32
    %scan3A_257:3 = scf.for %scan3A_666 = %scan3A_253 to %scan3A_255 step %scan3A_256 iter_args(%scan3A_667 = %scan3A_250, %scan3A_668 = %scan3A_251, %scan3A_669 = %scan3A_252) -> (i32, i32, i32)  : i32 {
      %mul3A_670 = arith.constant 16 : i32
      %mul3A_671 = arith.muli %scan3A_666, %mul3A_670 : i32
      %get3A_672 = arith.index_cast %mul3A_671 : i32 to index
      %get3A_673 = tpu.vector_load %arg6[%get3A_672] {strides = array<i32>} : memref<256xi32, #tpu.memory_space<vmem>>, vector<16xi32>,
      %broadcast_in_dim3A_674 = arith.constant true
      %broadcast_in_dim3A_675 = vector.broadcast %broadcast_in_dim3A_674 : i1 to vector<16xi1>
      %masked_cumsum3A = tpu.scan <sum>, %get3A_673 masked %broadcast_in_dim3A_675 : vector<16xi32>, vector<16xi1> -> vector<16xi32>
      %add3A_676 = vector.broadcast %scan3A_667 : i32 to vector<16xi32>
      %add3A_677 = arith.addi %add3A_676, %masked_cumsum3A : vector<16xi32>
      %lt3A_678 = vector.broadcast %sub3A_167 : i32 to vector<16xi32>
      %lt3A_679 = arith.cmpi slt, %add3A_677, %lt3A_678 : vector<16xi32>
      %all_reduce_population_count3A = tpu.all_reduce %lt3A_679 {dim = 0 : i64, kind = #tpu.reduction_kind<sum>} : vector<16xi1> -> vector<16xi32>
      %reduce_max3A = arith.constant true
      %reduce_max3A_680 = vector.broadcast %reduce_max3A : i1 to vector<16xi1>
      %reduce_max3A_681 = arith.constant -2147483648 : i32
      %reduce_max3A_682 = vector.broadcast %reduce_max3A_681 : i32 to vector<16xi32>
      %reduce_max3A_683 = arith.xori %all_reduce_population_count3A, %reduce_max3A_682 : vector<16xi32>
      %reduce_max3A_684 = tpu.scan <max>, %reduce_max3A_683 masked %reduce_max3A_680 : vector<16xi32>, vector<16xi1> -> vector<16xi32>
      %reduce_max3A_685 = arith.xori %reduce_max3A_684, %reduce_max3A_682 : vector<16xi32>
      %reduce_max3A_686 = vector.extract %reduce_max3A_685[15] : i32 from vector<16xi32>
      %add3A_687 = arith.addi %scan3A_668, %reduce_max3A_686 : i32
      %select_n3A_688 = arith.select %lt3A_679, %add3A_677, %broadcast_in_dim3A_33 : vector<16xi1>, vector<16xi32>
      %reduce_max3A_689 = arith.constant true
      %reduce_max3A_690 = vector.broadcast %reduce_max3A_689 : i1 to vector<16xi1>
      %reduce_max3A_691 = arith.constant -2147483648 : i32
      %reduce_max3A_692 = vector.broadcast %reduce_max3A_691 : i32 to vector<16xi32>
      %reduce_max3A_693 = arith.xori %select_n3A_688, %reduce_max3A_692 : vector<16xi32>
      %reduce_max3A_694 = tpu.scan <max>, %reduce_max3A_693 masked %reduce_max3A_690 : vector<16xi32>, vector<16xi1> -> vector<16xi32>
      %reduce_max3A_695 = arith.xori %reduce_max3A_694, %reduce_max3A_692 : vector<16xi32>
      %reduce_max3A_696 = vector.extract %reduce_max3A_695[15] : i32 from vector<16xi32>
      %max3A = arith.maxsi %scan3A_669, %reduce_max3A_696 : i32
      %reduce_max3A_697 = arith.constant true
      %reduce_max3A_698 = vector.broadcast %reduce_max3A_697 : i1 to vector<16xi1>
      %reduce_max3A_699 = arith.constant -2147483648 : i32
      %reduce_max3A_700 = vector.broadcast %reduce_max3A_699 : i32 to vector<16xi32>
      %reduce_max3A_701 = arith.xori %add3A_677, %reduce_max3A_700 : vector<16xi32>
      %reduce_max3A_702 = tpu.scan <max>, %reduce_max3A_701 masked %reduce_max3A_698 : vector<16xi32>, vector<16xi1> -> vector<16xi32>
      %reduce_max3A_703 = arith.xori %reduce_max3A_702, %reduce_max3A_700 : vector<16xi32>
      %reduce_max3A_704 = vector.extract %reduce_max3A_703[15] : i32 from vector<16xi32>
      scf.yield %reduce_max3A_704, %add3A_687, %max3A : i32, i32, i32
    }
    %scan3A_258 = arith.constant 16 : i32
    %sub3A_259 = arith.subi %sub3A_167, %scan3A_257#2 : i32
    %while3A_260 = arith.constant 0 : i32
    %while3A_261 = arith.constant 0 : i32
    %while3A_262 = arith.subi %select_n3A_239, %while3A_260 : i32
    %while3A_263 = arith.addi %while3A_260, %while3A_262 : i32
    %while3A_264 = arith.constant 1 : i32
    %while3A_265 = arith.divsi %while3A_262, %while3A_264 : i32
    %while3A_266 = arith.muli %while3A_265, %while3A_264 : i32
    %while3A_267 = arith.addi %while3A_260, %while3A_266 : i32
    %while3A_268 = arith.constant 1 : i32
    %while3A_269 = scf.for %while3A_666 = %while3A_260 to %while3A_267 step %while3A_268 iter_args(%while3A_667 = %while3A_261) -> (i32)  : i32 {
      %mul3A_668 = arith.constant 16 : i32
      %mul3A_669 = arith.muli %while3A_666, %mul3A_668 : i32
      %get3A_670 = arith.index_cast %mul3A_669 : i32 to index
      %get3A_671 = tpu.vector_load %arg8[%get3A_670] {strides = array<i32>} : memref<16400xi32, #tpu.memory_space<vmem>>, vector<16xi32>,
      %mul3A_672 = arith.constant 16 : i32
      %mul3A_673 = arith.muli %while3A_666, %mul3A_672 : i32
      %add3A_674 = vector.broadcast %mul3A_673 : i32 to vector<16xi32>
      %add3A_675 = arith.addi %add3A_674, %iota3A : vector<16xi32>
      %lt3A_676 = vector.broadcast %while3A_179 : i32 to vector<16xi32>
      %lt3A_677 = arith.cmpi slt, %add3A_675, %lt3A_676 : vector<16xi32>
      %shift_right_logical3A = arith.constant 8 : i32
      %shift_right_logical3A_678 = vector.broadcast %shift_right_logical3A : i32 to vector<16xi32>
      %shift_right_logical3A_679 = arith.shrui %get3A_671, %shift_right_logical3A_678 : vector<16xi32>
      %and3A_680 = arith.constant 255 : i32
      %and3A_681 = vector.broadcast %and3A_680 : i32 to vector<16xi32>
      %and3A_682 = arith.andi %shift_right_logical3A_679, %and3A_681 : vector<16xi32>
      %eq3A_683 = vector.broadcast %scan3A_257#1 : i32 to vector<16xi32>
      %eq3A_684 = arith.cmpi eq, %and3A_682, %eq3A_683 : vector<16xi32>
      %and3A_685 = arith.andi %lt3A_677, %eq3A_684 : vector<16xi1>
      %swap3A_686 = arith.index_cast %while3A_667 : i32 to index
      %swap3A_687 = tpu.vector_load %arg7[%swap3A_686] masked %and3A_685 {strides = array<i32>} : memref<16400xi32, #tpu.memory_space<vmem>>, vector<16xi32>, vector<16xi1>
      tpu.vector_store %arg7[%swap3A_686], %get3A_671 masked %and3A_685 {strides = array<i32>} : memref<16400xi32, #tpu.memory_space<vmem>>, vector<16xi32>, vector<16xi1>
      %all_reduce_population_count3A = tpu.all_reduce %and3A_685 {dim = 0 : i64, kind = #tpu.reduction_kind<sum>} : vector<16xi1> -> vector<16xi32>
      %reduce_max3A = arith.constant true
      %reduce_max3A_688 = vector.broadcast %reduce_max3A : i1 to vector<16xi1>
      %reduce_max3A_689 = arith.constant -2147483648 : i32
      %reduce_max3A_690 = vector.broadcast %reduce_max3A_689 : i32 to vector<16xi32>
      %reduce_max3A_691 = arith.xori %all_reduce_population_count3A, %reduce_max3A_690 : vector<16xi32>
      %reduce_max3A_692 = tpu.scan <max>, %reduce_max3A_691 masked %reduce_max3A_688 : vector<16xi32>, vector<16xi1> -> vector<16xi32>
      %reduce_max3A_693 = arith.xori %reduce_max3A_692, %reduce_max3A_690 : vector<16xi32>
      %reduce_max3A_694 = vector.extract %reduce_max3A_693[15] : i32 from vector<16xi32>
      %add3A_695 = arith.addi %while3A_667, %reduce_max3A_694 : i32
      scf.yield %add3A_695 : i32
    }
    %while3A_270 = arith.constant 1 : i32
    %while3A_271 = scf.for %while3A_666 = %while3A_267 to %while3A_263 step %while3A_270 iter_args(%while3A_667 = %while3A_269) -> (i32)  : i32 {
      %mul3A_668 = arith.constant 16 : i32
      %mul3A_669 = arith.muli %while3A_666, %mul3A_668 : i32
      %get3A_670 = arith.index_cast %mul3A_669 : i32 to index
      %get3A_671 = tpu.vector_load %arg8[%get3A_670] {strides = array<i32>} : memref<16400xi32, #tpu.memory_space<vmem>>, vector<16xi32>,
      %mul3A_672 = arith.constant 16 : i32
      %mul3A_673 = arith.muli %while3A_666, %mul3A_672 : i32
      %add3A_674 = vector.broadcast %mul3A_673 : i32 to vector<16xi32>
      %add3A_675 = arith.addi %add3A_674, %iota3A : vector<16xi32>
      %lt3A_676 = vector.broadcast %while3A_179 : i32 to vector<16xi32>
      %lt3A_677 = arith.cmpi slt, %add3A_675, %lt3A_676 : vector<16xi32>
      %shift_right_logical3A = arith.constant 8 : i32
      %shift_right_logical3A_678 = vector.broadcast %shift_right_logical3A : i32 to vector<16xi32>
      %shift_right_logical3A_679 = arith.shrui %get3A_671, %shift_right_logical3A_678 : vector<16xi32>
      %and3A_680 = arith.constant 255 : i32
      %and3A_681 = vector.broadcast %and3A_680 : i32 to vector<16xi32>
      %and3A_682 = arith.andi %shift_right_logical3A_679, %and3A_681 : vector<16xi32>
      %eq3A_683 = vector.broadcast %scan3A_257#1 : i32 to vector<16xi32>
      %eq3A_684 = arith.cmpi eq, %and3A_682, %eq3A_683 : vector<16xi32>
      %and3A_685 = arith.andi %lt3A_677, %eq3A_684 : vector<16xi1>
      %swap3A_686 = arith.index_cast %while3A_667 : i32 to index
      %swap3A_687 = tpu.vector_load %arg7[%swap3A_686] masked %and3A_685 {strides = array<i32>} : memref<16400xi32, #tpu.memory_space<vmem>>, vector<16xi32>, vector<16xi1>
      tpu.vector_store %arg7[%swap3A_686], %get3A_671 masked %and3A_685 {strides = array<i32>} : memref<16400xi32, #tpu.memory_space<vmem>>, vector<16xi32>, vector<16xi1>
      %all_reduce_population_count3A = tpu.all_reduce %and3A_685 {dim = 0 : i64, kind = #tpu.reduction_kind<sum>} : vector<16xi1> -> vector<16xi32>
      %reduce_max3A = arith.constant true
      %reduce_max3A_688 = vector.broadcast %reduce_max3A : i1 to vector<16xi1>
      %reduce_max3A_689 = arith.constant -2147483648 : i32
      %reduce_max3A_690 = vector.broadcast %reduce_max3A_689 : i32 to vector<16xi32>
      %reduce_max3A_691 = arith.xori %all_reduce_population_count3A, %reduce_max3A_690 : vector<16xi32>
      %reduce_max3A_692 = tpu.scan <max>, %reduce_max3A_691 masked %reduce_max3A_688 : vector<16xi32>, vector<16xi1> -> vector<16xi32>
      %reduce_max3A_693 = arith.xori %reduce_max3A_692, %reduce_max3A_690 : vector<16xi32>
      %reduce_max3A_694 = vector.extract %reduce_max3A_693[15] : i32 from vector<16xi32>
      %add3A_695 = arith.addi %while3A_667, %reduce_max3A_694 : i32
      scf.yield %add3A_695 : i32
    }
    %swap3A_272 = arith.constant 0 : index
    %swap3A_273 = tpu.vector_load %arg6[%swap3A_272] {strides = array<i32>} : memref<256xi32, #tpu.memory_space<vmem>>, vector<16xi32>,
    tpu.vector_store %arg6[%swap3A_272], %broadcast_in_dim3A_33 {strides = array<i32>} : memref<256xi32, #tpu.memory_space<vmem>>, vector<16xi32>,
    %swap3A_274 = arith.constant 16 : index
    %swap3A_275 = tpu.vector_load %arg6[%swap3A_274] {strides = array<i32>} : memref<256xi32, #tpu.memory_space<vmem>>, vector<16xi32>,
    tpu.vector_store %arg6[%swap3A_274], %broadcast_in_dim3A_33 {strides = array<i32>} : memref<256xi32, #tpu.memory_space<vmem>>, vector<16xi32>,
    %swap3A_276 = arith.constant 32 : index
    %swap3A_277 = tpu.vector_load %arg6[%swap3A_276] {strides = array<i32>} : memref<256xi32, #tpu.memory_space<vmem>>, vector<16xi32>,
    tpu.vector_store %arg6[%swap3A_276], %broadcast_in_dim3A_33 {strides = array<i32>} : memref<256xi32, #tpu.memory_space<vmem>>, vector<16xi32>,
    %swap3A_278 = arith.constant 48 : index
    %swap3A_279 = tpu.vector_load %arg6[%swap3A_278] {strides = array<i32>} : memref<256xi32, #tpu.memory_space<vmem>>, vector<16xi32>,
    tpu.vector_store %arg6[%swap3A_278], %broadcast_in_dim3A_33 {strides = array<i32>} : memref<256xi32, #tpu.memory_space<vmem>>, vector<16xi32>,
    %swap3A_280 = arith.constant 64 : index
    %swap3A_281 = tpu.vector_load %arg6[%swap3A_280] {strides = array<i32>} : memref<256xi32, #tpu.memory_space<vmem>>, vector<16xi32>,
    tpu.vector_store %arg6[%swap3A_280], %broadcast_in_dim3A_33 {strides = array<i32>} : memref<256xi32, #tpu.memory_space<vmem>>, vector<16xi32>,
    %swap3A_282 = arith.constant 80 : index
    %swap3A_283 = tpu.vector_load %arg6[%swap3A_282] {strides = array<i32>} : memref<256xi32, #tpu.memory_space<vmem>>, vector<16xi32>,
    tpu.vector_store %arg6[%swap3A_282], %broadcast_in_dim3A_33 {strides = array<i32>} : memref<256xi32, #tpu.memory_space<vmem>>, vector<16xi32>,
    %swap3A_284 = arith.constant 96 : index
    %swap3A_285 = tpu.vector_load %arg6[%swap3A_284] {strides = array<i32>} : memref<256xi32, #tpu.memory_space<vmem>>, vector<16xi32>,
    tpu.vector_store %arg6[%swap3A_284], %broadcast_in_dim3A_33 {strides = array<i32>} : memref<256xi32, #tpu.memory_space<vmem>>, vector<16xi32>,
    %swap3A_286 = arith.constant 112 : index
    %swap3A_287 = tpu.vector_load %arg6[%swap3A_286] {strides = array<i32>} : memref<256xi32, #tpu.memory_space<vmem>>, vector<16xi32>,
    tpu.vector_store %arg6[%swap3A_286], %broadcast_in_dim3A_33 {strides = array<i32>} : memref<256xi32, #tpu.memory_space<vmem>>, vector<16xi32>,
    %swap3A_288 = arith.constant 128 : index
    %swap3A_289 = tpu.vector_load %arg6[%swap3A_288] {strides = array<i32>} : memref<256xi32, #tpu.memory_space<vmem>>, vector<16xi32>,
    tpu.vector_store %arg6[%swap3A_288], %broadcast_in_dim3A_33 {strides = array<i32>} : memref<256xi32, #tpu.memory_space<vmem>>, vector<16xi32>,
    %swap3A_290 = arith.constant 144 : index
    %swap3A_291 = tpu.vector_load %arg6[%swap3A_290] {strides = array<i32>} : memref<256xi32, #tpu.memory_space<vmem>>, vector<16xi32>,
    tpu.vector_store %arg6[%swap3A_290], %broadcast_in_dim3A_33 {strides = array<i32>} : memref<256xi32, #tpu.memory_space<vmem>>, vector<16xi32>,
    %swap3A_292 = arith.constant 160 : index
    %swap3A_293 = tpu.vector_load %arg6[%swap3A_292] {strides = array<i32>} : memref<256xi32, #tpu.memory_space<vmem>>, vector<16xi32>,
    tpu.vector_store %arg6[%swap3A_292], %broadcast_in_dim3A_33 {strides = array<i32>} : memref<256xi32, #tpu.memory_space<vmem>>, vector<16xi32>,
    %swap3A_294 = arith.constant 176 : index
    %swap3A_295 = tpu.vector_load %arg6[%swap3A_294] {strides = array<i32>} : memref<256xi32, #tpu.memory_space<vmem>>, vector<16xi32>,
    tpu.vector_store %arg6[%swap3A_294], %broadcast_in_dim3A_33 {strides = array<i32>} : memref<256xi32, #tpu.memory_space<vmem>>, vector<16xi32>,
    %swap3A_296 = arith.constant 192 : index
    %swap3A_297 = tpu.vector_load %arg6[%swap3A_296] {strides = array<i32>} : memref<256xi32, #tpu.memory_space<vmem>>, vector<16xi32>,
    tpu.vector_store %arg6[%swap3A_296], %broadcast_in_dim3A_33 {strides = array<i32>} : memref<256xi32, #tpu.memory_space<vmem>>, vector<16xi32>,
    %swap3A_298 = arith.constant 208 : index
    %swap3A_299 = tpu.vector_load %arg6[%swap3A_298] {strides = array<i32>} : memref<256xi32, #tpu.memory_space<vmem>>, vector<16xi32>,
    tpu.vector_store %arg6[%swap3A_298], %broadcast_in_dim3A_33 {strides = array<i32>} : memref<256xi32, #tpu.memory_space<vmem>>, vector<16xi32>,
    %swap3A_300 = arith.constant 224 : index
    %swap3A_301 = tpu.vector_load %arg6[%swap3A_300] {strides = array<i32>} : memref<256xi32, #tpu.memory_space<vmem>>, vector<16xi32>,
    tpu.vector_store %arg6[%swap3A_300], %broadcast_in_dim3A_33 {strides = array<i32>} : memref<256xi32, #tpu.memory_space<vmem>>, vector<16xi32>,
    %swap3A_302 = arith.constant 240 : index
    %swap3A_303 = tpu.vector_load %arg6[%swap3A_302] {strides = array<i32>} : memref<256xi32, #tpu.memory_space<vmem>>, vector<16xi32>,
    tpu.vector_store %arg6[%swap3A_302], %broadcast_in_dim3A_33 {strides = array<i32>} : memref<256xi32, #tpu.memory_space<vmem>>, vector<16xi32>,
    %add3A_304 = arith.constant 16 : i32
    %add3A_305 = arith.addi %while3A_271, %add3A_304 : i32
    %sub3A_306 = arith.constant 1 : i32
    %sub3A_307 = arith.subi %add3A_305, %sub3A_306 : i32
    %jit3A_308 = arith.constant 16 : i32
    %div3A_309 = arith.divsi %sub3A_307, %jit3A_308 : i32
    %sign3A_310 = arith.constant 0 : i32
    %sign3A_311 = arith.cmpi sgt, %sub3A_307, %sign3A_310 : i32
    %sign3A_312 = arith.extui %sign3A_311 : i1 to i32
    %sign3A_313 = arith.constant 0 : i32
    %sign3A_314 = arith.cmpi slt, %sub3A_307, %sign3A_313 : i32
    %sign3A_315 = arith.extui %sign3A_314 : i1 to i32
    %sign3A_316 = arith.subi %sign3A_312, %sign3A_315 : i32
    %sign3A_317 = arith.constant 0 : i32
    %sign3A_318 = arith.cmpi sgt, %jit3A_308, %sign3A_317 : i32
    %sign3A_319 = arith.extui %sign3A_318 : i1 to i32
    %sign3A_320 = arith.constant 0 : i32
    %sign3A_321 = arith.cmpi slt, %jit3A_308, %sign3A_320 : i32
    %sign3A_322 = arith.extui %sign3A_321 : i1 to i32
    %sign3A_323 = arith.subi %sign3A_319, %sign3A_322 : i32
    %ne3A_324 = arith.cmpi ne, %sign3A_316, %sign3A_323 : i32
    %rem3A_325 = arith.remsi %sub3A_307, %jit3A_308 : i32
    %ne3A_326 = arith.constant 0 : i32
    %ne3A_327 = arith.cmpi ne, %rem3A_325, %ne3A_326 : i32
    %and3A_328 = arith.andi %ne3A_324, %ne3A_327 : i1
    %sub3A_329 = arith.constant 1 : i32
    %sub3A_330 = arith.subi %div3A_309, %sub3A_329 : i32
    %select_n3A_331 = arith.select %and3A_328, %sub3A_330, %div3A_309 : i32
    %while3A_332 = arith.constant 0 : i32
    %while3A_333 = arith.constant 0 : i32
    %while3A_334 = arith.subi %select_n3A_331, %while3A_333 : i32
    %while3A_335 = arith.addi %while3A_333, %while3A_334 : i32
    %while3A_336 = arith.constant 1 : i32
    %while3A_337 = arith.divsi %while3A_334, %while3A_336 : i32
    %while3A_338 = arith.muli %while3A_337, %while3A_336 : i32
    %while3A_339 = arith.addi %while3A_333, %while3A_338 : i32
    %while3A_340 = arith.constant 1 : i32
    scf.for %while3A_666 = %while3A_333 to %while3A_339 step %while3A_340  : i32 {
      %mul3A_667 = arith.constant 16 : i32
      %mul3A_668 = arith.muli %while3A_666, %mul3A_667 : i32
      %get3A_669 = arith.index_cast %mul3A_668 : i32 to index
      %get3A_670 = tpu.vector_load %arg7[%get3A_669] {strides = array<i32>} : memref<16400xi32, #tpu.memory_space<vmem>>, vector<16xi32>,
      %mul3A_671 = arith.constant 16 : i32
      %mul3A_672 = arith.muli %while3A_666, %mul3A_671 : i32
      %add3A_673 = vector.broadcast %mul3A_672 : i32 to vector<16xi32>
      %add3A_674 = arith.addi %add3A_673, %iota3A : vector<16xi32>
      %lt3A_675 = vector.broadcast %while3A_271 : i32 to vector<16xi32>
      %lt3A_676 = arith.cmpi slt, %add3A_674, %lt3A_675 : vector<16xi32>
      %shift_right_logical3A = arith.constant 0 : i32
      %shift_right_logical3A_677 = vector.broadcast %shift_right_logical3A : i32 to vector<16xi32>
      %shift_right_logical3A_678 = arith.shrui %get3A_670, %shift_right_logical3A_677 : vector<16xi32>
      %and3A_679 = arith.constant 255 : i32
      %and3A_680 = vector.broadcast %and3A_679 : i32 to vector<16xi32>
      %and3A_681 = arith.andi %shift_right_logical3A_678, %and3A_680 : vector<16xi32>
      tpu.vector_store_idx %arg6[%and3A_681], %broadcast_in_dim3A_31 masked %lt3A_676 {add = true} : memref<256xi32, #tpu.memory_space<vmem>>[vector<16xi32>], vector<16xi32>, vector<16xi1>
    }
    %while3A_341 = arith.constant 1 : i32
    scf.for %while3A_666 = %while3A_339 to %while3A_335 step %while3A_341  : i32 {
      %mul3A_667 = arith.constant 16 : i32
      %mul3A_668 = arith.muli %while3A_666, %mul3A_667 : i32
      %get3A_669 = arith.index_cast %mul3A_668 : i32 to index
      %get3A_670 = tpu.vector_load %arg7[%get3A_669] {strides = array<i32>} : memref<16400xi32, #tpu.memory_space<vmem>>, vector<16xi32>,
      %mul3A_671 = arith.constant 16 : i32
      %mul3A_672 = arith.muli %while3A_666, %mul3A_671 : i32
      %add3A_673 = vector.broadcast %mul3A_672 : i32 to vector<16xi32>
      %add3A_674 = arith.addi %add3A_673, %iota3A : vector<16xi32>
      %lt3A_675 = vector.broadcast %while3A_271 : i32 to vector<16xi32>
      %lt3A_676 = arith.cmpi slt, %add3A_674, %lt3A_675 : vector<16xi32>
      %shift_right_logical3A = arith.constant 0 : i32
      %shift_right_logical3A_677 = vector.broadcast %shift_right_logical3A : i32 to vector<16xi32>
      %shift_right_logical3A_678 = arith.shrui %get3A_670, %shift_right_logical3A_677 : vector<16xi32>
      %and3A_679 = arith.constant 255 : i32
      %and3A_680 = vector.broadcast %and3A_679 : i32 to vector<16xi32>
      %and3A_681 = arith.andi %shift_right_logical3A_678, %and3A_680 : vector<16xi32>
      tpu.vector_store_idx %arg6[%and3A_681], %broadcast_in_dim3A_31 masked %lt3A_676 {add = true} : memref<256xi32, #tpu.memory_space<vmem>>[vector<16xi32>], vector<16xi32>, vector<16xi1>
    }
    %scan3A_342 = arith.constant 0 : i32
    %scan3A_343 = arith.constant 0 : i32
    %scan3A_344 = arith.constant 0 : i32
    %scan3A_345 = arith.constant 0 : i32
    %scan3A_346 = arith.constant 16 : i32
    %scan3A_347 = arith.addi %scan3A_345, %scan3A_346 : i32
    %scan3A_348 = arith.constant 1 : i32
    %scan3A_349:3 = scf.for %scan3A_666 = %scan3A_345 to %scan3A_347 step %scan3A_348 iter_args(%scan3A_667 = %scan3A_342, %scan3A_668 = %scan3A_343, %scan3A_669 = %scan3A_344) -> (i32, i32, i32)  : i32 {
      %mul3A_670 = arith.constant 16 : i32
      %mul3A_671 = arith.muli %scan3A_666, %mul3A_670 : i32
      %get3A_672 = arith.index_cast %mul3A_671 : i32 to index
      %get3A_673 = tpu.vector_load %arg6[%get3A_672] {strides = array<i32>} : memref<256xi32, #tpu.memory_space<vmem>>, vector<16xi32>,
      %broadcast_in_dim3A_674 = arith.constant true
      %broadcast_in_dim3A_675 = vector.broadcast %broadcast_in_dim3A_674 : i1 to vector<16xi1>
      %masked_cumsum3A = tpu.scan <sum>, %get3A_673 masked %broadcast_in_dim3A_675 : vector<16xi32>, vector<16xi1> -> vector<16xi32>
      %add3A_676 = vector.broadcast %scan3A_667 : i32 to vector<16xi32>
      %add3A_677 = arith.addi %add3A_676, %masked_cumsum3A : vector<16xi32>
      %lt3A_678 = vector.broadcast %sub3A_259 : i32 to vector<16xi32>
      %lt3A_679 = arith.cmpi slt, %add3A_677, %lt3A_678 : vector<16xi32>
      %all_reduce_population_count3A = tpu.all_reduce %lt3A_679 {dim = 0 : i64, kind = #tpu.reduction_kind<sum>} : vector<16xi1> -> vector<16xi32>
      %reduce_max3A = arith.constant true
      %reduce_max3A_680 = vector.broadcast %reduce_max3A : i1 to vector<16xi1>
      %reduce_max3A_681 = arith.constant -2147483648 : i32
      %reduce_max3A_682 = vector.broadcast %reduce_max3A_681 : i32 to vector<16xi32>
      %reduce_max3A_683 = arith.xori %all_reduce_population_count3A, %reduce_max3A_682 : vector<16xi32>
      %reduce_max3A_684 = tpu.scan <max>, %reduce_max3A_683 masked %reduce_max3A_680 : vector<16xi32>, vector<16xi1> -> vector<16xi32>
      %reduce_max3A_685 = arith.xori %reduce_max3A_684, %reduce_max3A_682 : vector<16xi32>
      %reduce_max3A_686 = vector.extract %reduce_max3A_685[15] : i32 from vector<16xi32>
      %add3A_687 = arith.addi %scan3A_668, %reduce_max3A_686 : i32
      %select_n3A_688 = arith.select %lt3A_679, %add3A_677, %broadcast_in_dim3A_33 : vector<16xi1>, vector<16xi32>
      %reduce_max3A_689 = arith.constant true
      %reduce_max3A_690 = vector.broadcast %reduce_max3A_689 : i1 to vector<16xi1>
      %reduce_max3A_691 = arith.constant -2147483648 : i32
      %reduce_max3A_692 = vector.broadcast %reduce_max3A_691 : i32 to vector<16xi32>
      %reduce_max3A_693 = arith.xori %select_n3A_688, %reduce_max3A_692 : vector<16xi32>
      %reduce_max3A_694 = tpu.scan <max>, %reduce_max3A_693 masked %reduce_max3A_690 : vector<16xi32>, vector<16xi1> -> vector<16xi32>
      %reduce_max3A_695 = arith.xori %reduce_max3A_694, %reduce_max3A_692 : vector<16xi32>
      %reduce_max3A_696 = vector.extract %reduce_max3A_695[15] : i32 from vector<16xi32>
      %max3A = arith.maxsi %scan3A_669, %reduce_max3A_696 : i32
      %reduce_max3A_697 = arith.constant true
      %reduce_max3A_698 = vector.broadcast %reduce_max3A_697 : i1 to vector<16xi1>
      %reduce_max3A_699 = arith.constant -2147483648 : i32
      %reduce_max3A_700 = vector.broadcast %reduce_max3A_699 : i32 to vector<16xi32>
      %reduce_max3A_701 = arith.xori %add3A_677, %reduce_max3A_700 : vector<16xi32>
      %reduce_max3A_702 = tpu.scan <max>, %reduce_max3A_701 masked %reduce_max3A_698 : vector<16xi32>, vector<16xi1> -> vector<16xi32>
      %reduce_max3A_703 = arith.xori %reduce_max3A_702, %reduce_max3A_700 : vector<16xi32>
      %reduce_max3A_704 = vector.extract %reduce_max3A_703[15] : i32 from vector<16xi32>
      scf.yield %reduce_max3A_704, %add3A_687, %max3A : i32, i32, i32
    }
    %scan3A_350 = arith.constant 16 : i32
    %sub3A_351 = arith.subi %sub3A_259, %scan3A_349#2 : i32
    %mul3A_352 = arith.constant 256 : i32
    %mul3A_353 = arith.muli %scan3A_78#1, %mul3A_352 : i32
    %add3A_354 = arith.addi %mul3A_353, %scan3A_165#1 : i32
    %mul3A_355 = arith.constant 256 : i32
    %mul3A_356 = arith.muli %add3A_354, %mul3A_355 : i32
    %add3A_357 = arith.addi %mul3A_356, %scan3A_257#1 : i32
    %mul3A_358 = arith.constant 256 : i32
    %mul3A_359 = arith.muli %add3A_357, %mul3A_358 : i32
    %add3A_360 = arith.addi %mul3A_359, %scan3A_349#1 : i32
    %scan3A_361 = arith.constant 0 : i32
    %scan3A_362 = arith.constant 0 : i32
    %scan3A_363 = arith.constant 0 : i32
    %scan3A_364 = arith.constant 1024 : i32
    %scan3A_365 = arith.addi %scan3A_363, %scan3A_364 : i32
    %scan3A_366 = arith.constant 1 : i32
    %scan3A_367:2 = scf.for %scan3A_666 = %scan3A_363 to %scan3A_365 step %scan3A_366 iter_args(%scan3A_667 = %scan3A_361, %scan3A_668 = %scan3A_362) -> (i32, i32)  : i32 {
      %mul3A_669 = arith.constant 16 : i32
      %mul3A_670 = arith.muli %scan3A_666, %mul3A_669 : i32
      %get3A_671 = arith.index_cast %mul3A_670 : i32 to index
      %get3A_672 = tpu.vector_load %arg5[%get3A_671] {strides = array<i32>} : memref<16384xi32, #tpu.memory_space<vmem>>, vector<16xi32>,
      %mul3A_673 = arith.constant 16 : i32
      %mul3A_674 = arith.muli %scan3A_666, %mul3A_673 : i32
      %add3A_675 = vector.broadcast %mul3A_674 : i32 to vector<16xi32>
      %add3A_676 = arith.addi %add3A_675, %iota3A : vector<16xi32>
      %lt3A_677 = vector.broadcast %add3A_360 : i32 to vector<16xi32>
      %lt3A_678 = arith.cmpi slt, %get3A_672, %lt3A_677 : vector<16xi32>
      %swap3A_679 = arith.index_cast %scan3A_667 : i32 to index
      %swap3A_680 = tpu.vector_load %arg9[%swap3A_679] masked %lt3A_678 {strides = array<i32>} : memref<544xi32, #tpu.memory_space<vmem>>, vector<16xi32>, vector<16xi1>
      tpu.vector_store %arg9[%swap3A_679], %add3A_676 masked %lt3A_678 {strides = array<i32>} : memref<544xi32, #tpu.memory_space<vmem>>, vector<16xi32>, vector<16xi1>
      %all_reduce_population_count3A = tpu.all_reduce %lt3A_678 {dim = 0 : i64, kind = #tpu.reduction_kind<sum>} : vector<16xi1> -> vector<16xi32>
      %reduce_max3A = arith.constant true
      %reduce_max3A_681 = vector.broadcast %reduce_max3A : i1 to vector<16xi1>
      %reduce_max3A_682 = arith.constant -2147483648 : i32
      %reduce_max3A_683 = vector.broadcast %reduce_max3A_682 : i32 to vector<16xi32>
      %reduce_max3A_684 = arith.xori %all_reduce_population_count3A, %reduce_max3A_683 : vector<16xi32>
      %reduce_max3A_685 = tpu.scan <max>, %reduce_max3A_684 masked %reduce_max3A_681 : vector<16xi32>, vector<16xi1> -> vector<16xi32>
      %reduce_max3A_686 = arith.xori %reduce_max3A_685, %reduce_max3A_683 : vector<16xi32>
      %reduce_max3A_687 = vector.extract %reduce_max3A_686[15] : i32 from vector<16xi32>
      %add3A_688 = arith.addi %scan3A_667, %reduce_max3A_687 : i32
      %eq3A_689 = vector.broadcast %add3A_360 : i32 to vector<16xi32>
      %eq3A_690 = arith.cmpi eq, %get3A_672, %eq3A_689 : vector<16xi32>
      %swap3A_691 = arith.index_cast %scan3A_668 : i32 to index
      %swap3A_692 = tpu.vector_load %arg8[%swap3A_691] masked %eq3A_690 {strides = array<i32>} : memref<16400xi32, #tpu.memory_space<vmem>>, vector<16xi32>, vector<16xi1>
      tpu.vector_store %arg8[%swap3A_691], %add3A_676 masked %eq3A_690 {strides = array<i32>} : memref<16400xi32, #tpu.memory_space<vmem>>, vector<16xi32>, vector<16xi1>
      %all_reduce_population_count3A_693 = tpu.all_reduce %eq3A_690 {dim = 0 : i64, kind = #tpu.reduction_kind<sum>} : vector<16xi1> -> vector<16xi32>
      %reduce_max3A_694 = arith.constant true
      %reduce_max3A_695 = vector.broadcast %reduce_max3A_694 : i1 to vector<16xi1>
      %reduce_max3A_696 = arith.constant -2147483648 : i32
      %reduce_max3A_697 = vector.broadcast %reduce_max3A_696 : i32 to vector<16xi32>
      %reduce_max3A_698 = arith.xori %all_reduce_population_count3A_693, %reduce_max3A_697 : vector<16xi32>
      %reduce_max3A_699 = tpu.scan <max>, %reduce_max3A_698 masked %reduce_max3A_695 : vector<16xi32>, vector<16xi1> -> vector<16xi32>
      %reduce_max3A_700 = arith.xori %reduce_max3A_699, %reduce_max3A_697 : vector<16xi32>
      %reduce_max3A_701 = vector.extract %reduce_max3A_700[15] : i32 from vector<16xi32>
      %add3A_702 = arith.addi %scan3A_668, %reduce_max3A_701 : i32
      scf.yield %add3A_688, %add3A_702 : i32, i32
    }
    %scan3A_368 = arith.constant 1024 : i32
    %add3A_369 = arith.constant 16 : i32
    %add3A_370 = arith.addi %sub3A_351, %add3A_369 : i32
    %sub3A_371 = arith.constant 1 : i32
    %sub3A_372 = arith.subi %add3A_370, %sub3A_371 : i32
    %jit3A_373 = arith.constant 16 : i32
    %div3A_374 = arith.divsi %sub3A_372, %jit3A_373 : i32
    %sign3A_375 = arith.constant 0 : i32
    %sign3A_376 = arith.cmpi sgt, %sub3A_372, %sign3A_375 : i32
    %sign3A_377 = arith.extui %sign3A_376 : i1 to i32
    %sign3A_378 = arith.constant 0 : i32
    %sign3A_379 = arith.cmpi slt, %sub3A_372, %sign3A_378 : i32
    %sign3A_380 = arith.extui %sign3A_379 : i1 to i32
    %sign3A_381 = arith.subi %sign3A_377, %sign3A_380 : i32
    %sign3A_382 = arith.constant 0 : i32
    %sign3A_383 = arith.cmpi sgt, %jit3A_373, %sign3A_382 : i32
    %sign3A_384 = arith.extui %sign3A_383 : i1 to i32
    %sign3A_385 = arith.constant 0 : i32
    %sign3A_386 = arith.cmpi slt, %jit3A_373, %sign3A_385 : i32
    %sign3A_387 = arith.extui %sign3A_386 : i1 to i32
    %sign3A_388 = arith.subi %sign3A_384, %sign3A_387 : i32
    %ne3A_389 = arith.cmpi ne, %sign3A_381, %sign3A_388 : i32
    %rem3A_390 = arith.remsi %sub3A_372, %jit3A_373 : i32
    %ne3A_391 = arith.constant 0 : i32
    %ne3A_392 = arith.cmpi ne, %rem3A_390, %ne3A_391 : i32
    %and3A_393 = arith.andi %ne3A_389, %ne3A_392 : i1
    %sub3A_394 = arith.constant 1 : i32
    %sub3A_395 = arith.subi %div3A_374, %sub3A_394 : i32
    %select_n3A_396 = arith.select %and3A_393, %sub3A_395, %div3A_374 : i32
    %while3A_397 = arith.constant 0 : i32
    %while3A_398 = arith.constant 0 : i32
    %while3A_399 = arith.subi %select_n3A_396, %while3A_398 : i32
    %while3A_400 = arith.addi %while3A_398, %while3A_399 : i32
    %while3A_401 = arith.constant 1 : i32
    %while3A_402 = arith.divsi %while3A_399, %while3A_401 : i32
    %while3A_403 = arith.muli %while3A_402, %while3A_401 : i32
    %while3A_404 = arith.addi %while3A_398, %while3A_403 : i32
    %while3A_405 = arith.constant 1 : i32
    scf.for %while3A_666 = %while3A_398 to %while3A_404 step %while3A_405  : i32 {
      %mul3A_667 = arith.constant 16 : i32
      %mul3A_668 = arith.muli %while3A_666, %mul3A_667 : i32
      %get3A_669 = arith.index_cast %mul3A_668 : i32 to index
      %get3A_670 = tpu.vector_load %arg8[%get3A_669] {strides = array<i32>} : memref<16400xi32, #tpu.memory_space<vmem>>, vector<16xi32>,
      %mul3A_671 = arith.constant 16 : i32
      %mul3A_672 = arith.muli %while3A_666, %mul3A_671 : i32
      %add3A_673 = arith.addi %scan3A_367#0, %mul3A_672 : i32
      %swap3A_674 = arith.index_cast %add3A_673 : i32 to index
      %swap3A_675 = tpu.vector_load %arg9[%swap3A_674] {strides = array<i32>} : memref<544xi32, #tpu.memory_space<vmem>>, vector<16xi32>,
      tpu.vector_store %arg9[%swap3A_674], %get3A_670 {strides = array<i32>} : memref<544xi32, #tpu.memory_space<vmem>>, vector<16xi32>,
    }
    %while3A_406 = arith.constant 1 : i32
    scf.for %while3A_666 = %while3A_404 to %while3A_400 step %while3A_406  : i32 {
      %mul3A_667 = arith.constant 16 : i32
      %mul3A_668 = arith.muli %while3A_666, %mul3A_667 : i32
      %get3A_669 = arith.index_cast %mul3A_668 : i32 to index
      %get3A_670 = tpu.vector_load %arg8[%get3A_669] {strides = array<i32>} : memref<16400xi32, #tpu.memory_space<vmem>>, vector<16xi32>,
      %mul3A_671 = arith.constant 16 : i32
      %mul3A_672 = arith.muli %while3A_666, %mul3A_671 : i32
      %add3A_673 = arith.addi %scan3A_367#0, %mul3A_672 : i32
      %swap3A_674 = arith.index_cast %add3A_673 : i32 to index
      %swap3A_675 = tpu.vector_load %arg9[%swap3A_674] {strides = array<i32>} : memref<544xi32, #tpu.memory_space<vmem>>, vector<16xi32>,
      tpu.vector_store %arg9[%swap3A_674], %get3A_670 {strides = array<i32>} : memref<544xi32, #tpu.memory_space<vmem>>, vector<16xi32>,
    }
    %mul3A_407 = arith.constant 32768 : i32
    %mul3A_408 = arith.muli %select_n3A, %mul3A_407 : i32
    %mul3A_409 = arith.constant 128 : i32
    %mul3A_410 = arith.muli %select_n3A_30, %mul3A_409 : i32
    %add3A_411 = arith.constant 0 : i32
    %add3A_412 = arith.addi %mul3A_410, %add3A_411 : i32
    %add3A_413 = arith.constant 0 : i32
    %add3A_414 = arith.addi %add3A_412, %add3A_413 : i32
    %get3A = arith.index_cast %add3A_414 : i32 to index
    %get3A_415 = tpu.vector_load %arg9[%get3A] {strides = array<i32>} : memref<544xi32, #tpu.memory_space<vmem>>, vector<16xi32>,
    %mul3A_416 = arith.constant 2 : i32
    %mul3A_417 = vector.broadcast %mul3A_416 : i32 to vector<16xi32>
    %mul3A_418 = arith.muli %get3A_415, %mul3A_417 : vector<16xi32>
    %add3A_419 = vector.broadcast %mul3A_408 : i32 to vector<16xi32>
    %add3A_420 = arith.addi %add3A_419, %mul3A_418 : vector<16xi32>
    %add3A_421 = arith.constant 0 : i32
    %add3A_422 = vector.broadcast %add3A_421 : i32 to vector<16xi32>
    %add3A_423 = arith.addi %add3A_422, %iota3A : vector<16xi32>
    %mul3A_424 = arith.constant 2 : i32
    %mul3A_425 = vector.broadcast %mul3A_424 : i32 to vector<16xi32>
    %mul3A_426 = arith.muli %mul3A_425, %add3A_423 : vector<16xi32>
    %broadcast_in_dim3A_427 = arith.constant 0 : i32
    %broadcast_in_dim3A_428 = vector.broadcast %broadcast_in_dim3A_427 : i32 to vector<16xi32>
    tpu.vector_store_idx %arg10[%broadcast_in_dim3A_428, %mul3A_426], %add3A_420 : memref<2x128xi32, #tpu.memory_space<vmem>>[vector<16xi32>, vector<16xi32>], vector<16xi32>,
    %add3A_429 = arith.constant 1 : i32
    %add3A_430 = vector.broadcast %add3A_429 : i32 to vector<16xi32>
    %add3A_431 = arith.addi %mul3A_426, %add3A_430 : vector<16xi32>
    %add3A_432 = arith.constant 1 : i32
    %add3A_433 = vector.broadcast %add3A_432 : i32 to vector<16xi32>
    %add3A_434 = arith.addi %add3A_420, %add3A_433 : vector<16xi32>
    tpu.vector_store_idx %arg10[%broadcast_in_dim3A_428, %add3A_431], %add3A_434 : memref<2x128xi32, #tpu.memory_space<vmem>>[vector<16xi32>, vector<16xi32>], vector<16xi32>,
    %mul3A_435 = arith.constant 128 : i32
    %mul3A_436 = arith.muli %select_n3A_30, %mul3A_435 : i32
    %add3A_437 = arith.constant 0 : i32
    %add3A_438 = arith.addi %mul3A_436, %add3A_437 : i32
    %add3A_439 = arith.constant 16 : i32
    %add3A_440 = arith.addi %add3A_438, %add3A_439 : i32
    %get3A_441 = arith.index_cast %add3A_440 : i32 to index
    %get3A_442 = tpu.vector_load %arg9[%get3A_441] {strides = array<i32>} : memref<544xi32, #tpu.memory_space<vmem>>, vector<16xi32>,
    %mul3A_443 = arith.constant 2 : i32
    %mul3A_444 = vector.broadcast %mul3A_443 : i32 to vector<16xi32>
    %mul3A_445 = arith.muli %get3A_442, %mul3A_444 : vector<16xi32>
    %add3A_446 = vector.broadcast %mul3A_408 : i32 to vector<16xi32>
    %add3A_447 = arith.addi %add3A_446, %mul3A_445 : vector<16xi32>
    %add3A_448 = arith.constant 16 : i32
    %add3A_449 = vector.broadcast %add3A_448 : i32 to vector<16xi32>
    %add3A_450 = arith.addi %add3A_449, %iota3A : vector<16xi32>
    %mul3A_451 = arith.constant 2 : i32
    %mul3A_452 = vector.broadcast %mul3A_451 : i32 to vector<16xi32>
    %mul3A_453 = arith.muli %mul3A_452, %add3A_450 : vector<16xi32>
    %broadcast_in_dim3A_454 = arith.constant 0 : i32
    %broadcast_in_dim3A_455 = vector.broadcast %broadcast_in_dim3A_454 : i32 to vector<16xi32>
    tpu.vector_store_idx %arg10[%broadcast_in_dim3A_455, %mul3A_453], %add3A_447 : memref<2x128xi32, #tpu.memory_space<vmem>>[vector<16xi32>, vector<16xi32>], vector<16xi32>,
    %add3A_456 = arith.constant 1 : i32
    %add3A_457 = vector.broadcast %add3A_456 : i32 to vector<16xi32>
    %add3A_458 = arith.addi %mul3A_453, %add3A_457 : vector<16xi32>
    %add3A_459 = arith.constant 1 : i32
    %add3A_460 = vector.broadcast %add3A_459 : i32 to vector<16xi32>
    %add3A_461 = arith.addi %add3A_447, %add3A_460 : vector<16xi32>
    tpu.vector_store_idx %arg10[%broadcast_in_dim3A_455, %add3A_458], %add3A_461 : memref<2x128xi32, #tpu.memory_space<vmem>>[vector<16xi32>, vector<16xi32>], vector<16xi32>,
    %mul3A_462 = arith.constant 128 : i32
    %mul3A_463 = arith.muli %select_n3A_30, %mul3A_462 : i32
    %add3A_464 = arith.constant 0 : i32
    %add3A_465 = arith.addi %mul3A_463, %add3A_464 : i32
    %add3A_466 = arith.constant 32 : i32
    %add3A_467 = arith.addi %add3A_465, %add3A_466 : i32
    %get3A_468 = arith.index_cast %add3A_467 : i32 to index
    %get3A_469 = tpu.vector_load %arg9[%get3A_468] {strides = array<i32>} : memref<544xi32, #tpu.memory_space<vmem>>, vector<16xi32>,
    %mul3A_470 = arith.constant 2 : i32
    %mul3A_471 = vector.broadcast %mul3A_470 : i32 to vector<16xi32>
    %mul3A_472 = arith.muli %get3A_469, %mul3A_471 : vector<16xi32>
    %add3A_473 = vector.broadcast %mul3A_408 : i32 to vector<16xi32>
    %add3A_474 = arith.addi %add3A_473, %mul3A_472 : vector<16xi32>
    %add3A_475 = arith.constant 32 : i32
    %add3A_476 = vector.broadcast %add3A_475 : i32 to vector<16xi32>
    %add3A_477 = arith.addi %add3A_476, %iota3A : vector<16xi32>
    %mul3A_478 = arith.constant 2 : i32
    %mul3A_479 = vector.broadcast %mul3A_478 : i32 to vector<16xi32>
    %mul3A_480 = arith.muli %mul3A_479, %add3A_477 : vector<16xi32>
    %broadcast_in_dim3A_481 = arith.constant 0 : i32
    %broadcast_in_dim3A_482 = vector.broadcast %broadcast_in_dim3A_481 : i32 to vector<16xi32>
    tpu.vector_store_idx %arg10[%broadcast_in_dim3A_482, %mul3A_480], %add3A_474 : memref<2x128xi32, #tpu.memory_space<vmem>>[vector<16xi32>, vector<16xi32>], vector<16xi32>,
    %add3A_483 = arith.constant 1 : i32
    %add3A_484 = vector.broadcast %add3A_483 : i32 to vector<16xi32>
    %add3A_485 = arith.addi %mul3A_480, %add3A_484 : vector<16xi32>
    %add3A_486 = arith.constant 1 : i32
    %add3A_487 = vector.broadcast %add3A_486 : i32 to vector<16xi32>
    %add3A_488 = arith.addi %add3A_474, %add3A_487 : vector<16xi32>
    tpu.vector_store_idx %arg10[%broadcast_in_dim3A_482, %add3A_485], %add3A_488 : memref<2x128xi32, #tpu.memory_space<vmem>>[vector<16xi32>, vector<16xi32>], vector<16xi32>,
    %mul3A_489 = arith.constant 128 : i32
    %mul3A_490 = arith.muli %select_n3A_30, %mul3A_489 : i32
    %add3A_491 = arith.constant 0 : i32
    %add3A_492 = arith.addi %mul3A_490, %add3A_491 : i32
    %add3A_493 = arith.constant 48 : i32
    %add3A_494 = arith.addi %add3A_492, %add3A_493 : i32
    %get3A_495 = arith.index_cast %add3A_494 : i32 to index
    %get3A_496 = tpu.vector_load %arg9[%get3A_495] {strides = array<i32>} : memref<544xi32, #tpu.memory_space<vmem>>, vector<16xi32>,
    %mul3A_497 = arith.constant 2 : i32
    %mul3A_498 = vector.broadcast %mul3A_497 : i32 to vector<16xi32>
    %mul3A_499 = arith.muli %get3A_496, %mul3A_498 : vector<16xi32>
    %add3A_500 = vector.broadcast %mul3A_408 : i32 to vector<16xi32>
    %add3A_501 = arith.addi %add3A_500, %mul3A_499 : vector<16xi32>
    %add3A_502 = arith.constant 48 : i32
    %add3A_503 = vector.broadcast %add3A_502 : i32 to vector<16xi32>
    %add3A_504 = arith.addi %add3A_503, %iota3A : vector<16xi32>
    %mul3A_505 = arith.constant 2 : i32
    %mul3A_506 = vector.broadcast %mul3A_505 : i32 to vector<16xi32>
    %mul3A_507 = arith.muli %mul3A_506, %add3A_504 : vector<16xi32>
    %broadcast_in_dim3A_508 = arith.constant 0 : i32
    %broadcast_in_dim3A_509 = vector.broadcast %broadcast_in_dim3A_508 : i32 to vector<16xi32>
    tpu.vector_store_idx %arg10[%broadcast_in_dim3A_509, %mul3A_507], %add3A_501 : memref<2x128xi32, #tpu.memory_space<vmem>>[vector<16xi32>, vector<16xi32>], vector<16xi32>,
    %add3A_510 = arith.constant 1 : i32
    %add3A_511 = vector.broadcast %add3A_510 : i32 to vector<16xi32>
    %add3A_512 = arith.addi %mul3A_507, %add3A_511 : vector<16xi32>
    %add3A_513 = arith.constant 1 : i32
    %add3A_514 = vector.broadcast %add3A_513 : i32 to vector<16xi32>
    %add3A_515 = arith.addi %add3A_501, %add3A_514 : vector<16xi32>
    tpu.vector_store_idx %arg10[%broadcast_in_dim3A_509, %add3A_512], %add3A_515 : memref<2x128xi32, #tpu.memory_space<vmem>>[vector<16xi32>, vector<16xi32>], vector<16xi32>,
    %mul3A_516 = arith.constant 128 : i32
    %mul3A_517 = arith.muli %select_n3A_30, %mul3A_516 : i32
    %add3A_518 = arith.constant 64 : i32
    %add3A_519 = arith.addi %mul3A_517, %add3A_518 : i32
    %add3A_520 = arith.constant 0 : i32
    %add3A_521 = arith.addi %add3A_519, %add3A_520 : i32
    %get3A_522 = arith.index_cast %add3A_521 : i32 to index
    %get3A_523 = tpu.vector_load %arg9[%get3A_522] {strides = array<i32>} : memref<544xi32, #tpu.memory_space<vmem>>, vector<16xi32>,
    %mul3A_524 = arith.constant 2 : i32
    %mul3A_525 = vector.broadcast %mul3A_524 : i32 to vector<16xi32>
    %mul3A_526 = arith.muli %get3A_523, %mul3A_525 : vector<16xi32>
    %add3A_527 = vector.broadcast %mul3A_408 : i32 to vector<16xi32>
    %add3A_528 = arith.addi %add3A_527, %mul3A_526 : vector<16xi32>
    %add3A_529 = arith.constant 0 : i32
    %add3A_530 = vector.broadcast %add3A_529 : i32 to vector<16xi32>
    %add3A_531 = arith.addi %add3A_530, %iota3A : vector<16xi32>
    %mul3A_532 = arith.constant 2 : i32
    %mul3A_533 = vector.broadcast %mul3A_532 : i32 to vector<16xi32>
    %mul3A_534 = arith.muli %mul3A_533, %add3A_531 : vector<16xi32>
    %broadcast_in_dim3A_535 = arith.constant 1 : i32
    %broadcast_in_dim3A_536 = vector.broadcast %broadcast_in_dim3A_535 : i32 to vector<16xi32>
    tpu.vector_store_idx %arg10[%broadcast_in_dim3A_536, %mul3A_534], %add3A_528 : memref<2x128xi32, #tpu.memory_space<vmem>>[vector<16xi32>, vector<16xi32>], vector<16xi32>,
    %add3A_537 = arith.constant 1 : i32
    %add3A_538 = vector.broadcast %add3A_537 : i32 to vector<16xi32>
    %add3A_539 = arith.addi %mul3A_534, %add3A_538 : vector<16xi32>
    %add3A_540 = arith.constant 1 : i32
    %add3A_541 = vector.broadcast %add3A_540 : i32 to vector<16xi32>
    %add3A_542 = arith.addi %add3A_528, %add3A_541 : vector<16xi32>
    tpu.vector_store_idx %arg10[%broadcast_in_dim3A_536, %add3A_539], %add3A_542 : memref<2x128xi32, #tpu.memory_space<vmem>>[vector<16xi32>, vector<16xi32>], vector<16xi32>,
    %mul3A_543 = arith.constant 128 : i32
    %mul3A_544 = arith.muli %select_n3A_30, %mul3A_543 : i32
    %add3A_545 = arith.constant 64 : i32
    %add3A_546 = arith.addi %mul3A_544, %add3A_545 : i32
    %add3A_547 = arith.constant 16 : i32
    %add3A_548 = arith.addi %add3A_546, %add3A_547 : i32
    %get3A_549 = arith.index_cast %add3A_548 : i32 to index
    %get3A_550 = tpu.vector_load %arg9[%get3A_549] {strides = array<i32>} : memref<544xi32, #tpu.memory_space<vmem>>, vector<16xi32>,
    %mul3A_551 = arith.constant 2 : i32
    %mul3A_552 = vector.broadcast %mul3A_551 : i32 to vector<16xi32>
    %mul3A_553 = arith.muli %get3A_550, %mul3A_552 : vector<16xi32>
    %add3A_554 = vector.broadcast %mul3A_408 : i32 to vector<16xi32>
    %add3A_555 = arith.addi %add3A_554, %mul3A_553 : vector<16xi32>
    %add3A_556 = arith.constant 16 : i32
    %add3A_557 = vector.broadcast %add3A_556 : i32 to vector<16xi32>
    %add3A_558 = arith.addi %add3A_557, %iota3A : vector<16xi32>
    %mul3A_559 = arith.constant 2 : i32
    %mul3A_560 = vector.broadcast %mul3A_559 : i32 to vector<16xi32>
    %mul3A_561 = arith.muli %mul3A_560, %add3A_558 : vector<16xi32>
    %broadcast_in_dim3A_562 = arith.constant 1 : i32
    %broadcast_in_dim3A_563 = vector.broadcast %broadcast_in_dim3A_562 : i32 to vector<16xi32>
    tpu.vector_store_idx %arg10[%broadcast_in_dim3A_563, %mul3A_561], %add3A_555 : memref<2x128xi32, #tpu.memory_space<vmem>>[vector<16xi32>, vector<16xi32>], vector<16xi32>,
    %add3A_564 = arith.constant 1 : i32
    %add3A_565 = vector.broadcast %add3A_564 : i32 to vector<16xi32>
    %add3A_566 = arith.addi %mul3A_561, %add3A_565 : vector<16xi32>
    %add3A_567 = arith.constant 1 : i32
    %add3A_568 = vector.broadcast %add3A_567 : i32 to vector<16xi32>
    %add3A_569 = arith.addi %add3A_555, %add3A_568 : vector<16xi32>
    tpu.vector_store_idx %arg10[%broadcast_in_dim3A_563, %add3A_566], %add3A_569 : memref<2x128xi32, #tpu.memory_space<vmem>>[vector<16xi32>, vector<16xi32>], vector<16xi32>,
    %mul3A_570 = arith.constant 128 : i32
    %mul3A_571 = arith.muli %select_n3A_30, %mul3A_570 : i32
    %add3A_572 = arith.constant 64 : i32
    %add3A_573 = arith.addi %mul3A_571, %add3A_572 : i32
    %add3A_574 = arith.constant 32 : i32
    %add3A_575 = arith.addi %add3A_573, %add3A_574 : i32
    %get3A_576 = arith.index_cast %add3A_575 : i32 to index
    %get3A_577 = tpu.vector_load %arg9[%get3A_576] {strides = array<i32>} : memref<544xi32, #tpu.memory_space<vmem>>, vector<16xi32>,
    %mul3A_578 = arith.constant 2 : i32
    %mul3A_579 = vector.broadcast %mul3A_578 : i32 to vector<16xi32>
    %mul3A_580 = arith.muli %get3A_577, %mul3A_579 : vector<16xi32>
    %add3A_581 = vector.broadcast %mul3A_408 : i32 to vector<16xi32>
    %add3A_582 = arith.addi %add3A_581, %mul3A_580 : vector<16xi32>
    %add3A_583 = arith.constant 32 : i32
    %add3A_584 = vector.broadcast %add3A_583 : i32 to vector<16xi32>
    %add3A_585 = arith.addi %add3A_584, %iota3A : vector<16xi32>
    %mul3A_586 = arith.constant 2 : i32
    %mul3A_587 = vector.broadcast %mul3A_586 : i32 to vector<16xi32>
    %mul3A_588 = arith.muli %mul3A_587, %add3A_585 : vector<16xi32>
    %broadcast_in_dim3A_589 = arith.constant 1 : i32
    %broadcast_in_dim3A_590 = vector.broadcast %broadcast_in_dim3A_589 : i32 to vector<16xi32>
    tpu.vector_store_idx %arg10[%broadcast_in_dim3A_590, %mul3A_588], %add3A_582 : memref<2x128xi32, #tpu.memory_space<vmem>>[vector<16xi32>, vector<16xi32>], vector<16xi32>,
    %add3A_591 = arith.constant 1 : i32
    %add3A_592 = vector.broadcast %add3A_591 : i32 to vector<16xi32>
    %add3A_593 = arith.addi %mul3A_588, %add3A_592 : vector<16xi32>
    %add3A_594 = arith.constant 1 : i32
    %add3A_595 = vector.broadcast %add3A_594 : i32 to vector<16xi32>
    %add3A_596 = arith.addi %add3A_582, %add3A_595 : vector<16xi32>
    tpu.vector_store_idx %arg10[%broadcast_in_dim3A_590, %add3A_593], %add3A_596 : memref<2x128xi32, #tpu.memory_space<vmem>>[vector<16xi32>, vector<16xi32>], vector<16xi32>,
    %mul3A_597 = arith.constant 128 : i32
    %mul3A_598 = arith.muli %select_n3A_30, %mul3A_597 : i32
    %add3A_599 = arith.constant 64 : i32
    %add3A_600 = arith.addi %mul3A_598, %add3A_599 : i32
    %add3A_601 = arith.constant 48 : i32
    %add3A_602 = arith.addi %add3A_600, %add3A_601 : i32
    %get3A_603 = arith.index_cast %add3A_602 : i32 to index
    %get3A_604 = tpu.vector_load %arg9[%get3A_603] {strides = array<i32>} : memref<544xi32, #tpu.memory_space<vmem>>, vector<16xi32>,
    %mul3A_605 = arith.constant 2 : i32
    %mul3A_606 = vector.broadcast %mul3A_605 : i32 to vector<16xi32>
    %mul3A_607 = arith.muli %get3A_604, %mul3A_606 : vector<16xi32>
    %add3A_608 = vector.broadcast %mul3A_408 : i32 to vector<16xi32>
    %add3A_609 = arith.addi %add3A_608, %mul3A_607 : vector<16xi32>
    %add3A_610 = arith.constant 48 : i32
    %add3A_611 = vector.broadcast %add3A_610 : i32 to vector<16xi32>
    %add3A_612 = arith.addi %add3A_611, %iota3A : vector<16xi32>
    %mul3A_613 = arith.constant 2 : i32
    %mul3A_614 = vector.broadcast %mul3A_613 : i32 to vector<16xi32>
    %mul3A_615 = arith.muli %mul3A_614, %add3A_612 : vector<16xi32>
    %broadcast_in_dim3A_616 = arith.constant 1 : i32
    %broadcast_in_dim3A_617 = vector.broadcast %broadcast_in_dim3A_616 : i32 to vector<16xi32>
    tpu.vector_store_idx %arg10[%broadcast_in_dim3A_617, %mul3A_615], %add3A_609 : memref<2x128xi32, #tpu.memory_space<vmem>>[vector<16xi32>, vector<16xi32>], vector<16xi32>,
    %add3A_618 = arith.constant 1 : i32
    %add3A_619 = vector.broadcast %add3A_618 : i32 to vector<16xi32>
    %add3A_620 = arith.addi %mul3A_615, %add3A_619 : vector<16xi32>
    %add3A_621 = arith.constant 1 : i32
    %add3A_622 = vector.broadcast %add3A_621 : i32 to vector<16xi32>
    %add3A_623 = arith.addi %add3A_609, %add3A_622 : vector<16xi32>
    tpu.vector_store_idx %arg10[%broadcast_in_dim3A_617, %add3A_620], %add3A_623 : memref<2x128xi32, #tpu.memory_space<vmem>>[vector<16xi32>, vector<16xi32>], vector<16xi32>,
    %dma_start3A = arith.constant 0 : i32
    %dma_start3A_624 = arith.constant 0 : i32
    %dma_start3A_625 = arith.constant 0 : i32
    %dma_start3A_626 = tpu.memref_slice %arg11[%dma_start3A_624, %dma_start3A_625] : memref<256x128xf32, #tpu.memory_space<vmem>> -> memref<128x128xf32, #tpu.memory_space<vmem>>
    %dma_start3A_627 = arith.constant 0 : i32
    %dma_start3A_628 = tpu.memref_slice %arg10[%dma_start3A, %dma_start3A_627] : memref<2x128xi32, #tpu.memory_space<vmem>> -> memref<1x128xi32, #tpu.memory_space<vmem>>
    %dma_start3A_629 = tpu.memref_squeeze %dma_start3A_628 : memref<1x128xi32, #tpu.memory_space<vmem>> -> memref<128xi32, #tpu.memory_space<vmem>>
    %dma_start3A_630 = arith.constant 0 : i32
    %dma_start3A_631 = arith.constant 0 : i32
    %dma_start3A_632 = tpu.memref_slice %arg3[%dma_start3A_630, %dma_start3A_631] : memref<262144x128xf32, #tpu.memory_space<hbm>> -> memref<262144x128xf32, #tpu.memory_space<hbm>>
    tpu.enqueue_indirect_dma source(%dma_start3A_632 : memref<262144x128xf32, #tpu.memory_space<hbm>>) target(%dma_start3A_626 : memref<128x128xf32, #tpu.memory_space<vmem>>) offsets(%dma_start3A_629 : memref<128xi32, #tpu.memory_space<vmem>>) semaphore(%arg12 : memref<!tpu.dma_semaphore, #tpu.memory_space<semaphore_mem>>)
    %dma_start3A_633 = arith.constant 1 : i32
    %dma_start3A_634 = arith.constant 128 : i32
    %dma_start3A_635 = arith.constant 0 : i32
    %dma_start3A_636 = tpu.memref_slice %arg11[%dma_start3A_634, %dma_start3A_635] : memref<256x128xf32, #tpu.memory_space<vmem>> -> memref<128x128xf32, #tpu.memory_space<vmem>>
    %dma_start3A_637 = arith.constant 0 : i32
    %dma_start3A_638 = tpu.memref_slice %arg10[%dma_start3A_633, %dma_start3A_637] : memref<2x128xi32, #tpu.memory_space<vmem>> -> memref<1x128xi32, #tpu.memory_space<vmem>>
    %dma_start3A_639 = tpu.memref_squeeze %dma_start3A_638 : memref<1x128xi32, #tpu.memory_space<vmem>> -> memref<128xi32, #tpu.memory_space<vmem>>
    %dma_start3A_640 = arith.constant 0 : i32
    %dma_start3A_641 = arith.constant 0 : i32
    %dma_start3A_642 = tpu.memref_slice %arg3[%dma_start3A_640, %dma_start3A_641] : memref<262144x128xf32, #tpu.memory_space<hbm>> -> memref<262144x128xf32, #tpu.memory_space<hbm>>
    tpu.enqueue_indirect_dma source(%dma_start3A_642 : memref<262144x128xf32, #tpu.memory_space<hbm>>) target(%dma_start3A_636 : memref<128x128xf32, #tpu.memory_space<vmem>>) offsets(%dma_start3A_639 : memref<128xi32, #tpu.memory_space<vmem>>) semaphore(%arg13 : memref<!tpu.dma_semaphore, #tpu.memory_space<semaphore_mem>>)
    %dma_wait3A = arith.constant 0 : i32
    %dma_wait3A_643 = arith.constant 0 : i32
    %dma_wait3A_644 = arith.constant 0 : i32
    %dma_wait3A_645 = tpu.memref_slice %arg11[%dma_wait3A_643, %dma_wait3A_644] : memref<256x128xf32, #tpu.memory_space<vmem>> -> memref<128x128xf32, #tpu.memory_space<vmem>>
    %dma_wait3A_646 = arith.constant 0 : i32
    %dma_wait3A_647 = tpu.memref_slice %arg10[%dma_wait3A, %dma_wait3A_646] : memref<2x128xi32, #tpu.memory_space<vmem>> -> memref<1x128xi32, #tpu.memory_space<vmem>>
    %dma_wait3A_648 = tpu.memref_squeeze %dma_wait3A_647 : memref<1x128xi32, #tpu.memory_space<vmem>> -> memref<128xi32, #tpu.memory_space<vmem>>
    %dma_wait3A_649 = arith.constant 0 : i32
    %dma_wait3A_650 = arith.constant 0 : i32
    %dma_wait3A_651 = tpu.memref_slice %arg3[%dma_wait3A_649, %dma_wait3A_650] : memref<262144x128xf32, #tpu.memory_space<hbm>> -> memref<262144x128xf32, #tpu.memory_space<hbm>>
    tpu.wait_indirect_dma semaphore(%arg12 : memref<!tpu.dma_semaphore, #tpu.memory_space<semaphore_mem>>) src(%dma_wait3A_651 : memref<262144x128xf32, #tpu.memory_space<hbm>>) dst(%dma_wait3A_645 : memref<128x128xf32, #tpu.memory_space<vmem>>)
    %dma_wait3A_652 = arith.constant 1 : i32
    %dma_wait3A_653 = arith.constant 128 : i32
    %dma_wait3A_654 = arith.constant 0 : i32
    %dma_wait3A_655 = tpu.memref_slice %arg11[%dma_wait3A_653, %dma_wait3A_654] : memref<256x128xf32, #tpu.memory_space<vmem>> -> memref<128x128xf32, #tpu.memory_space<vmem>>
    %dma_wait3A_656 = arith.constant 0 : i32
    %dma_wait3A_657 = tpu.memref_slice %arg10[%dma_wait3A_652, %dma_wait3A_656] : memref<2x128xi32, #tpu.memory_space<vmem>> -> memref<1x128xi32, #tpu.memory_space<vmem>>
    %dma_wait3A_658 = tpu.memref_squeeze %dma_wait3A_657 : memref<1x128xi32, #tpu.memory_space<vmem>> -> memref<128xi32, #tpu.memory_space<vmem>>
    %dma_wait3A_659 = arith.constant 0 : i32
    %dma_wait3A_660 = arith.constant 0 : i32
    %dma_wait3A_661 = tpu.memref_slice %arg3[%dma_wait3A_659, %dma_wait3A_660] : memref<262144x128xf32, #tpu.memory_space<hbm>> -> memref<262144x128xf32, #tpu.memory_space<hbm>>
    tpu.wait_indirect_dma semaphore(%arg13 : memref<!tpu.dma_semaphore, #tpu.memory_space<semaphore_mem>>) src(%dma_wait3A_661 : memref<262144x128xf32, #tpu.memory_space<hbm>>) dst(%dma_wait3A_655 : memref<128x128xf32, #tpu.memory_space<vmem>>)
    %mul3A_662 = arith.constant 2 : i32
    %mul3A_663 = arith.muli %select_n3A_30, %mul3A_662 : i32
    %mul3A_664 = arith.constant 128 : i32
    %mul3A_665 = arith.muli %mul3A_663, %mul3A_664 : i32
    "tpu.region"() ({
      %run_scoped3A = tpu.sem_alloc : memref<!tpu.dma_semaphore, #tpu.memory_space<semaphore_mem>>
      %dma_start3A_666 = arith.constant 0 : i32
      %dma_start3A_667 = tpu.memref_slice %arg4[%select_n3A, %mul3A_665, %dma_start3A_666] : memref<8x1024x128xf32, #tpu.memory_space<hbm>> -> memref<1x256x128xf32, #tpu.memory_space<hbm>>
      %dma_start3A_668 = tpu.memref_squeeze %dma_start3A_667 : memref<1x256x128xf32, #tpu.memory_space<hbm>> -> memref<256x128xf32, #tpu.memory_space<hbm>>
      %dma_start3A_669 = arith.constant 0 : i32
      %dma_start3A_670 = tpu.memref_slice %arg4[%select_n3A, %mul3A_665, %dma_start3A_669] : memref<8x1024x128xf32, #tpu.memory_space<hbm>> -> memref<1x256x128xf32, #tpu.memory_space<hbm>>
      %dma_start3A_671 = tpu.memref_squeeze %dma_start3A_670 : memref<1x256x128xf32, #tpu.memory_space<hbm>> -> memref<256x128xf32, #tpu.memory_space<hbm>>
      tpu.enqueue_dma source(%arg11 : memref<256x128xf32, #tpu.memory_space<vmem>>) target(%dma_start3A_671 : memref<256x128xf32, #tpu.memory_space<hbm>>) target_semaphore(%run_scoped3A : memref<!tpu.dma_semaphore, #tpu.memory_space<semaphore_mem>>)
      %dma_wait3A_672 = arith.constant 0 : i32
      %dma_wait3A_673 = tpu.memref_slice %arg4[%select_n3A, %mul3A_665, %dma_wait3A_672] : memref<8x1024x128xf32, #tpu.memory_space<hbm>> -> memref<1x256x128xf32, #tpu.memory_space<hbm>>
      %dma_wait3A_674 = tpu.memref_squeeze %dma_wait3A_673 : memref<1x256x128xf32, #tpu.memory_space<hbm>> -> memref<256x128xf32, #tpu.memory_space<hbm>>
      %dma_wait3A_675 = arith.constant 0 : i32
      %dma_wait3A_676 = tpu.memref_slice %arg4[%select_n3A, %mul3A_665, %dma_wait3A_675] : memref<8x1024x128xf32, #tpu.memory_space<hbm>> -> memref<1x256x128xf32, #tpu.memory_space<hbm>>
      %dma_wait3A_677 = tpu.memref_squeeze %dma_wait3A_676 : memref<1x256x128xf32, #tpu.memory_space<hbm>> -> memref<256x128xf32, #tpu.memory_space<hbm>>
      tpu.wait_dma2 semaphore(%run_scoped3A : memref<!tpu.dma_semaphore, #tpu.memory_space<semaphore_mem>>) src(%arg11 : memref<256x128xf32, #tpu.memory_space<vmem>>) dst(%dma_wait3A_677 : memref<256x128xf32, #tpu.memory_space<hbm>>)
      tpu.yield
    }) : () -> ()
    return
  }
}

module attributes {stable_mosaic.version = 14 : i64} {
  func.func @_dist2_body(%arg0: i32, %arg1: i32, %arg2: memref<1x256x2048xf32, #tpu.memory_space<vmem>>, %arg3: memref<1x256x1xf32, #tpu.memory_space<vmem>>, %arg4: memref<1x1x2048xi32, #tpu.memory_space<vmem>>, %arg5: memref<1x4096x128xf32, #tpu.memory_space<vmem>>) attributes {dimension_semantics = [#tpu.dimension_semantics<arbitrary>, #tpu.dimension_semantics<arbitrary>], iteration_bounds = array<i64: 8, 8>, scalar_prefetch = 0 : i64, scratch_operands = 0 : i64, tpu.core_type = #tpu.core_type<tc>, window_params = [{transform_indices = @transform_0, window_bounds = array<i64: 1, 256, 2048>}, {transform_indices = @transform_1, window_bounds = array<i64: 1, 256, 1>}, {transform_indices = @transform_2, window_bounds = array<i64: 1, 1, 2048>}, {transform_indices = @transform_3, window_bounds = array<i64: 1, 4096, 128>}]} {
    %get3A = arith.constant 0 : index
    %get3A_0 = arith.constant 0 : index
    %get3A_1 = arith.constant 0 : index
    %get3A_2 = vector.load %arg2[%get3A, %get3A_0, %get3A_1] : memref<1x256x2048xf32, #tpu.memory_space<vmem>>, vector<1x256x2048xf32>
    %get3A_3 = vector.shape_cast %get3A_2 : vector<1x256x2048xf32> to vector<256x2048xf32>
    %get3A_4 = arith.constant 0 : index
    %get3A_5 = arith.constant 0 : index
    %get3A_6 = arith.constant 0 : index
    %get3A_7 = vector.load %arg3[%get3A_4, %get3A_5, %get3A_6] : memref<1x256x1xf32, #tpu.memory_space<vmem>>, vector<1x256x1xf32>
    %get3A_8 = vector.shape_cast %get3A_7 : vector<1x256x1xf32> to vector<256x1xf32>
    %sub3A = vector.broadcast %get3A_8 : vector<256x1xf32> to vector<256x2048xf32>
    %sub3A_9 = arith.subf %get3A_3, %sub3A : vector<256x2048xf32>
    %mul3A = arith.mulf %sub3A_9, %sub3A_9 : vector<256x2048xf32>
    %reduce_sum3A = arith.constant dense<0.000000e+00> : vector<2048xf32>
    %reduce_sum3A_10 = vector.multi_reduction <add>, %mul3A, %reduce_sum3A [0] : vector<256x2048xf32> to vector<2048xf32>
    %bitcast_convert_type3A = tpu.bitcast %reduce_sum3A_10 : vector<2048xf32> -> vector<2048xi32>
    %swap3A = arith.constant 0 : index
    %swap3A_11 = arith.constant 0 : index
    %swap3A_12 = arith.constant 0 : index
    %swap3A_13 = vector.load %arg4[%swap3A, %swap3A_11, %swap3A_12] : memref<1x1x2048xi32, #tpu.memory_space<vmem>>, vector<1x1x2048xi32>
    %swap3A_14 = vector.shape_cast %swap3A_13 : vector<1x1x2048xi32> to vector<2048xi32>
    %swap3A_15 = vector.shape_cast %bitcast_convert_type3A : vector<2048xi32> to vector<1x1x2048xi32>
    tpu.vector_store %arg4[%swap3A, %swap3A_11, %swap3A_12], %swap3A_15 {strides = array<i32>} : memref<1x1x2048xi32, #tpu.memory_space<vmem>>, vector<1x1x2048xi32>,
    %transpose3A = tpu.transpose %get3A_3, [1, 0] : vector<256x2048xf32> -> vector<2048x256xf32>
    %reshape3A = vector.shape_cast %transpose3A : vector<2048x256xf32> to vector<4096x128xf32>
    %swap3A_16 = arith.constant 0 : index
    %swap3A_17 = arith.constant 0 : index
    %swap3A_18 = arith.constant 0 : index
    %swap3A_19 = vector.load %arg5[%swap3A_16, %swap3A_17, %swap3A_18] : memref<1x4096x128xf32, #tpu.memory_space<vmem>>, vector<1x4096x128xf32>
    %swap3A_20 = vector.shape_cast %swap3A_19 : vector<1x4096x128xf32> to vector<4096x128xf32>
    %swap3A_21 = vector.shape_cast %reshape3A : vector<4096x128xf32> to vector<1x4096x128xf32>
    tpu.vector_store %arg5[%swap3A_16, %swap3A_17, %swap3A_18], %swap3A_21 {strides = array<i32>} : memref<1x4096x128xf32, #tpu.memory_space<vmem>>, vector<1x4096x128xf32>,
    return
  }
  func.func @transform_0(%arg0: i32, %arg1: i32) -> (i32, i32, i32) {
    %c0_i32 = arith.constant 0 : i32
    %c0_i32_0 = arith.constant 0 : i32
    return %arg1, %c0_i32, %arg0 : i32, i32, i32
  }
  func.func @transform_1(%arg0: i32, %arg1: i32) -> (i32, i32, i32) {
    %c0_i32 = arith.constant 0 : i32
    %c0_i32_0 = arith.constant 0 : i32
    %c0_i32_1 = arith.constant 0 : i32
    return %arg1, %c0_i32, %c0_i32_0 : i32, i32, i32
  }
  func.func @transform_2(%arg0: i32, %arg1: i32) -> (i32, i32, i32) {
    %c0_i32 = arith.constant 0 : i32
    %c0_i32_0 = arith.constant 0 : i32
    return %arg1, %c0_i32, %arg0 : i32, i32, i32
  }
  func.func @transform_3(%arg0: i32, %arg1: i32) -> (i32, i32, i32) {
    %c0_i32 = arith.constant 0 : i32
    %c0_i32_0 = arith.constant 0 : i32
    return %arg1, %arg0, %c0_i32 : i32, i32, i32
  }
}

module attributes {stable_mosaic.version = 14 : i64} {
  func.func @_attn_body(%arg0: i32, %arg1: memref<1x512x256xf32, #tpu.memory_space<vmem>>, %arg2: memref<1x1x256xf32, #tpu.memory_space<vmem>>, %arg3: memref<256x256xf32, #tpu.memory_space<vmem>>, %arg4: memref<256xf32, #tpu.memory_space<vmem>>, %arg5: memref<256x256xf32, #tpu.memory_space<vmem>>, %arg6: memref<256xf32, #tpu.memory_space<vmem>>, %arg7: memref<1x1x256xf32, #tpu.memory_space<vmem>>) attributes {dimension_semantics = [#tpu.dimension_semantics<arbitrary>], iteration_bounds = array<i64: 8>, scalar_prefetch = 0 : i64, scratch_operands = 0 : i64, tpu.core_type = #tpu.core_type<tc>, window_params = [{transform_indices = @transform_0, window_bounds = array<i64: 1, 512, 256>}, {transform_indices = @transform_1, window_bounds = array<i64: 1, 1, 256>}, {pipeline_mode = #tpu.pipeline_mode<synchronous>, transform_indices = @transform_2, window_bounds = array<i64: 256, 256>}, {pipeline_mode = #tpu.pipeline_mode<synchronous>, transform_indices = @transform_3, window_bounds = array<i64: 256>}, {pipeline_mode = #tpu.pipeline_mode<synchronous>, transform_indices = @transform_4, window_bounds = array<i64: 256, 256>}, {pipeline_mode = #tpu.pipeline_mode<synchronous>, transform_indices = @transform_5, window_bounds = array<i64: 256>}, {transform_indices = @transform_6, window_bounds = array<i64: 1, 1, 256>}]} {
    %get3A = arith.constant 0 : index
    %get3A_0 = arith.constant 0 : index
    %get3A_1 = arith.constant 0 : index
    %get3A_2 = vector.load %arg1[%get3A, %get3A_0, %get3A_1] : memref<1x512x256xf32, #tpu.memory_space<vmem>>, vector<1x512x256xf32>
    %get3A_3 = vector.shape_cast %get3A_2 : vector<1x512x256xf32> to vector<512x256xf32>
    %get3A_4 = arith.constant 0 : index
    %get3A_5 = arith.constant 0 : index
    %get3A_6 = arith.constant 0 : index
    %get3A_7 = vector.load %arg2[%get3A_4, %get3A_5, %get3A_6] : memref<1x1x256xf32, #tpu.memory_space<vmem>>, vector<1x1x256xf32>
    %get3A_8 = vector.shape_cast %get3A_7 : vector<1x1x256xf32> to vector<1x256xf32>
    %sub3A = vector.broadcast %get3A_8 : vector<1x256xf32> to vector<512x256xf32>
    %sub3A_9 = arith.subf %get3A_3, %sub3A : vector<512x256xf32>
    %get3A_10 = arith.constant 0 : index
    %get3A_11 = arith.constant 0 : index
    %get3A_12 = vector.load %arg3[%get3A_10, %get3A_11] : memref<256x256xf32, #tpu.memory_space<vmem>>, vector<256x256xf32>
    %dot_general3A = arith.constant dense<0.000000e+00> : vector<512x256xf32>
    %dot_general3A_13 = tpu.matmul %sub3A_9, %get3A_12, %dot_general3A {dimension_numbers = #tpu.dot_dimension_numbers<[1], [1], [0], [0], [0, 0, 1, 0], [], []>, transpose_lhs_hint = false} : vector<512x256xf32>, vector<256x256xf32>, vector<512x256xf32> -> vector<512x256xf32>
    %get3A_14 = arith.constant 0 : index
    %get3A_15 = vector.load %arg4[%get3A_14] : memref<256xf32, #tpu.memory_space<vmem>>, vector<256xf32>
    %broadcast_in_dim3A = vector.shape_cast %get3A_15 : vector<256xf32> to vector<1x256xf32>
    %add3A = vector.broadcast %broadcast_in_dim3A : vector<1x256xf32> to vector<512x256xf32>
    %add3A_16 = arith.addf %dot_general3A_13, %add3A : vector<512x256xf32>
    %dot_general3A_17 = arith.constant dense<0.000000e+00> : vector<512x512xf32>
    %dot_general3A_18 = tpu.matmul %add3A_16, %add3A_16, %dot_general3A_17 {dimension_numbers = #tpu.dot_dimension_numbers<[1], [1], [0], [0], [0, 0, 1, 0], [], []>, transpose_lhs_hint = false} : vector<512x256xf32>, vector<512x256xf32>, vector<512x512xf32> -> vector<512x512xf32>
    %reduce_max3A = arith.constant dense<0xFF800000> : vector<512xf32>
    %reduce_max3A_19 = vector.multi_reduction <maximumf>, %dot_general3A_18, %reduce_max3A [1] : vector<512x512xf32> to vector<512xf32>
    %broadcast_in_dim3A_20 = vector.shape_cast %reduce_max3A_19 : vector<512xf32> to vector<512x1xf32>
    %sub3A_21 = vector.broadcast %broadcast_in_dim3A_20 : vector<512x1xf32> to vector<512x512xf32>
    %sub3A_22 = arith.subf %dot_general3A_18, %sub3A_21 : vector<512x512xf32>
    %exp3A = math.exp %sub3A_22 : vector<512x512xf32>
    %reduce_sum3A = arith.constant dense<0.000000e+00> : vector<512xf32>
    %reduce_sum3A_23 = vector.multi_reduction <add>, %exp3A, %reduce_sum3A [1] : vector<512x512xf32> to vector<512xf32>
    %broadcast_in_dim3A_24 = vector.shape_cast %reduce_sum3A_23 : vector<512xf32> to vector<512x1xf32>
    %div3A = vector.broadcast %broadcast_in_dim3A_24 : vector<512x1xf32> to vector<512x512xf32>
    %div3A_25 = arith.divf %exp3A, %div3A : vector<512x512xf32>
    %reduce_sum3A_26 = arith.constant dense<0.000000e+00> : vector<512xf32>
    %reduce_sum3A_27 = vector.multi_reduction <add>, %div3A_25, %reduce_sum3A_26 [0] : vector<512x512xf32> to vector<512xf32>
    %mul3A = arith.constant 0.001953125 : f32
    %mul3A_28 = vector.broadcast %mul3A : f32 to vector<512xf32>
    %mul3A_29 = arith.mulf %reduce_sum3A_27, %mul3A_28 : vector<512xf32>
    %broadcast_in_dim3A_30 = vector.shape_cast %mul3A_29 : vector<512xf32> to vector<1x512xf32>
    %dot_general3A_31 = arith.constant dense<0.000000e+00> : vector<1x256xf32>
    %dot_general3A_32 = tpu.matmul %broadcast_in_dim3A_30, %add3A_16, %dot_general3A_31 {dimension_numbers = #tpu.dot_dimension_numbers<[1], [0], [0], [1], [0, 0, 1, 1], [], []>, transpose_lhs_hint = false} : vector<1x512xf32>, vector<512x256xf32>, vector<1x256xf32> -> vector<1x256xf32>
    %get3A_33 = arith.constant 0 : index
    %get3A_34 = arith.constant 0 : index
    %get3A_35 = vector.load %arg5[%get3A_33, %get3A_34] : memref<256x256xf32, #tpu.memory_space<vmem>>, vector<256x256xf32>
    %dot_general3A_36 = arith.constant dense<0.000000e+00> : vector<1x256xf32>
    %dot_general3A_37 = tpu.matmul %dot_general3A_32, %get3A_35, %dot_general3A_36 {dimension_numbers = #tpu.dot_dimension_numbers<[1], [1], [0], [0], [0, 0, 1, 0], [], []>, transpose_lhs_hint = false} : vector<1x256xf32>, vector<256x256xf32>, vector<1x256xf32> -> vector<1x256xf32>
    %get3A_38 = arith.constant 0 : index
    %get3A_39 = vector.load %arg6[%get3A_38] : memref<256xf32, #tpu.memory_space<vmem>>, vector<256xf32>
    %broadcast_in_dim3A_40 = vector.shape_cast %get3A_39 : vector<256xf32> to vector<1x256xf32>
    %add3A_41 = arith.addf %dot_general3A_37, %broadcast_in_dim3A_40 : vector<1x256xf32>
    %max3A = arith.constant 0.000000e+00 : f32
    %max3A_42 = vector.broadcast %max3A : f32 to vector<1x256xf32>
    %max3A_43 = arith.maximumf %add3A_41, %max3A_42 : vector<1x256xf32>
    %squeeze3A = vector.shape_cast %max3A_43 : vector<1x256xf32> to vector<256xf32>
    %swap3A = arith.constant 0 : index
    %swap3A_44 = arith.constant 0 : index
    %swap3A_45 = arith.constant 0 : index
    %swap3A_46 = vector.load %arg7[%swap3A, %swap3A_44, %swap3A_45] : memref<1x1x256xf32, #tpu.memory_space<vmem>>, vector<1x1x256xf32>
    %swap3A_47 = vector.shape_cast %swap3A_46 : vector<1x1x256xf32> to vector<256xf32>
    %swap3A_48 = vector.shape_cast %squeeze3A : vector<256xf32> to vector<1x1x256xf32>
    tpu.vector_store %arg7[%swap3A, %swap3A_44, %swap3A_45], %swap3A_48 {strides = array<i32>} : memref<1x1x256xf32, #tpu.memory_space<vmem>>, vector<1x1x256xf32>,
    return
  }
  func.func @transform_0(%arg0: i32) -> (i32, i32, i32) {
    %c0_i32 = arith.constant 0 : i32
    %c0_i32_0 = arith.constant 0 : i32
    %c0_i32_1 = arith.constant 0 : i32
    return %arg0, %c0_i32, %c0_i32_0 : i32, i32, i32
  }
  func.func @transform_1(%arg0: i32) -> (i32, i32, i32) {
    %c0_i32 = arith.constant 0 : i32
    %c0_i32_0 = arith.constant 0 : i32
    %c0_i32_1 = arith.constant 0 : i32
    return %arg0, %c0_i32, %c0_i32_0 : i32, i32, i32
  }
  func.func @transform_2(%arg0: i32) -> (i32, i32) {
    %c0_i32 = arith.constant 0 : i32
    %c0_i32_0 = arith.constant 0 : i32
    %c0_i32_1 = arith.constant 0 : i32
    return %c0_i32, %c0_i32_0 : i32, i32
  }
  func.func @transform_3(%arg0: i32) -> i32 {
    %c0_i32 = arith.constant 0 : i32
    %c0_i32_0 = arith.constant 0 : i32
    return %c0_i32 : i32
  }
  func.func @transform_4(%arg0: i32) -> (i32, i32) {
    %c0_i32 = arith.constant 0 : i32
    %c0_i32_0 = arith.constant 0 : i32
    %c0_i32_1 = arith.constant 0 : i32
    return %c0_i32, %c0_i32_0 : i32, i32
  }
  func.func @transform_5(%arg0: i32) -> i32 {
    %c0_i32 = arith.constant 0 : i32
    %c0_i32_0 = arith.constant 0 : i32
    return %c0_i32 : i32
  }
  func.func @transform_6(%arg0: i32) -> (i32, i32, i32) {
    %c0_i32 = arith.constant 0 : i32
    %c0_i32_0 = arith.constant 0 : i32
    %c0_i32_1 = arith.constant 0 : i32
    return %arg0, %c0_i32, %c0_i32_0 : i32, i32, i32
  }
}

</mosaic_0001>

<sc_bundles>
// kernel: kernel.5.cloned.1.call-start
scs
__scs_entry_jumppad:
0x0: {  	(pc) =	sbr.rel $0x88, $3  }
0x1: {  	(tag) =	ssettag $0x0;
	lr =	simm.s32 $0x1  }
0x2: {  	[smem:$0x3F9B] =	sst lr;
	_ =	strace $0xD0000000  }
0x3: {  	_ = 	snop  }
0x4: {  	_ = 	snop  }
0x5: {  	_ = 	snop  }
0x6: {  	_ = 	snop  }
0x7: {  	_ = 	snop  }
__scs_overlays_trampoline_lowered:
0x8: {  	[smem:$0x3FAA] =	sst s0  }
0x9: {  	[smem:$0x3FAB] =	sst s1  }
0xa: {  	[smem:$0x3FAC] =	sst s2  }
0xb: {  	[smem:$0x3FAD] =	sst s3  }
0xc: {  	[smem:$0x3FAE] =	sst s4  }
0xd: {  	[smem:$0x3FAF] =	sst s5  }
0xe: {  	[smem:$0x3FB0] =	sst s6  }
0xf: {  	[smem:$0x3FB1] =	sst s7  }
0x10: {  	[smem:$0x3FB2] =	sst s8  }
0x11: {  	[smem:$0x3FB3] =	sst s9;
	s0 =	simm.s32 @!p0 $0x0  }
0x12: {  	s1 =	sld [smem:$0x3F99];
	s0 =	simm.s32 @p0 $0x1  }
0x13: {  	[smem:$0x3FB4] =	sst s0;
	s0 =	simm.s32 @!p1 $0x0  }
0x14: {  	s2 =	sld [smem:$0x3F98];
	s0 =	simm.s32 @p1 $0x1  }
0x15: {  	[smem:$0x3FB5] =	sst s0;
	s0 =	simm.s32 @!p2 $0x0  }
0x16: {  	s3 =	sld [smem:$0x3FDB];
	s0 =	simm.s32 @p2 $0x1  }
0x17: {  	s4 =	simm.s32 $0x1BF5;
	[smem:$0x3FB7] =	sst s0  }
0x18: {  	s0 =	sld [smem:$0x3F9A];
	_ =	swait.ge [sflag:s4], $0x0  }
0x19: {  	s7 =	sld [smem:$0x3F9B]  }
0x1a: {  	s8 =	sadd.s32 $0xFFFFE003, lr  }
0x1b: {  	s9 =	sadd.s32 $0xFFFFFEF7, lr;
	s5 =	simm.s32 $0xFFFFFFFF;
	p2 =	slt.u32 s8, $0xFFFFF086  }
0x1c: {  	p1 =	slt.u32 s9, $0xF7A;
	s5 =	simm.s32 @!p2 $0x0  }
0x1d: {  	s5 =	simm.s32 @p1 $0x1;
	p0 =	seq.s32 s7, s2  }
0x1e: {  	s7 =	smul.u32 @!p0 $0xF7A, s2;
	p2 =	seq.s32 @!p0 s5, $0x0  }
0x1f: {  	s9 =	smul.u32 $0xF7A, s1;
	s8 =	simm.s32 @!p0 $0x1BF5;
	p2 =	por !p2, p0  }
0x20: {  	[sflag:s8] =	ssyncset.s32 @!p0 $0xFFFFF086;
	s6 =	sadd.s32 @!p0 s3, s7;
	s7 =	simm.s32 @!p0 $0x108  }
0x21: {  	s3 =	sadd.s32 s3, s9;
	s6 =	sadd.s32 @!p0 $0x88, s6;
	s7 =	simm.s32 @p2 $0x1082  }
0x22: {  	[simem:s7], [sflag:s8] =	dma.local @!p0 [hbm:s6], $0xF7A  }
0x23: {  	s9 =	sor.u32 $0xD0000000, s2;
	s6 =	simm.s32 $0x108;
	_ =	swait.ge @!p0 [sflag:s8], $0x0  }
0x24: {  	s3 =	sadd.s32 $0x88, s3;
	s6 =	simm.s32 @!p1 $0x1082;
	[sflag:s4] =	ssyncset.s32 $0xFFFFF086  }
0x25: {  	[simem:s6], [sflag:s4] =	dma.local [hbm:s3], $0xF7A  }
0x26: {  	[smem:$0x3F9B] =	sst s1;
	(tag) =	ssettag s2;
	_ =	strace s9  }
0x27: {  	s1 =	sld [smem:$0x3FAB]  }
0x28: {  	s2 =	sld [smem:$0x3FAC]  }
0x29: {  	s4 =	sld [smem:$0x3FAE]  }
0x2a: {  	p0 =	seq.s32 s5, $0x0;
	s5 =	sld [smem:$0x3FAF]  }
0x2b: {  	s6 =	sld [smem:$0x3FB0]  }
0x2c: {  	s7 =	sld [smem:$0x3FB1]  }
0x2d: {  	s3 =	simm.s32 $0x108;
	s8 =	sld [smem:$0x3FB2]  }
0x2e: {  	s3 =	simm.s32 @!p0 $0x1082;
	s9 =	sld [smem:$0x3FB3]  }
0x2f: {  	lr =	sadd.s32 s0, s3;
	s0 =	sld [smem:$0x3FAA]  }
0x30: {  	s3 =	sld [smem:$0x3FAD]  }
0x31: {  	[smem:$0x3FB6] =	sst s10  }
0x32: {  	s10 =	sld [smem:$0x3FB4];
	_ =	sdelay $0x3  }
0x33: {  	p0 =	seq.s32 s10, $0x1;
	s10 =	sld [smem:$0x3FB6];
	_ =	sdelay $0x3  }
0x34: {  	[smem:$0x3FB6] =	sst s10  }
0x35: {  	s10 =	sld [smem:$0x3FB5];
	_ =	sdelay $0x3  }
0x36: {  	p1 =	seq.s32 s10, $0x1;
	s10 =	sld [smem:$0x3FB6];
	_ =	sdelay $0x3  }
0x37: {  	[smem:$0x3FB6] =	sst s10  }
0x38: {  	s10 =	sld [smem:$0x3FB7]  }
0x39: {  	_ = 	snop;
	(pc) =	sbr.ind lr, $3  }
0x3a: {  	_ = 	snop  }
0x3b: {  	_ = 	snop  }
0x3c: {  	p2 =	seq.s32 s10, $0x1;
	s10 =	sld [smem:$0x3FB6]  }
0x3d: {  	_ =	shalt  }
0x3e: {  	_ =	shalt  }
0x3f: {  	_ =	shalt  }
0x40: {  	_ =	shalt  }
0x41: {  	_ =	shalt  }
0x42: {  	_ =	shalt  }
0x43: {  	_ =	shalt  }
0x44: {  	_ =	shalt  }
0x45: {  	_ =	shalt  }
0x46: {  	_ =	shalt  }
0x47: {  	_ =	shalt  }
0x48: {  	_ =	shalt  }
0x49: {  	_ =	shalt  }
0x4a: {  	_ =	shalt  }
0x4b: {  	_ =	shalt  }
0x4c: {  	_ =	shalt  }
0x4d: {  	_ =	shalt  }
0x4e: {  	_ =	shalt  }
0x4f: {  	_ =	shalt  }
0x50: {  	_ =	shalt  }
0x51: {  	_ =	shalt  }
0x52: {  	_ =	shalt  }
0x53: {  	_ =	shalt  }
0x54: {  	_ =	shalt  }
0x55: {  	_ =	shalt  }
0x56: {  	_ =	shalt  }
0x57: {  	_ =	shalt  }
0x58: {  	_ =	shalt  }
0x59: {  	_ =	shalt  }
0x5a: {  	_ =	shalt  }
0x5b: {  	_ =	shalt  }
0x5c: {  	_ =	shalt  }
0x5d: {  	_ =	shalt  }
0x5e: {  	_ =	shalt  }
0x5f: {  	_ =	shalt  }
0x60: {  	_ =	shalt  }
0x61: {  	_ =	shalt  }
0x62: {  	_ =	shalt  }
0x63: {  	_ =	shalt  }
0x64: {  	_ =	shalt  }
0x65: {  	_ =	shalt  }
0x66: {  	_ =	shalt  }
0x67: {  	_ =	shalt  }
0x68: {  	_ =	shalt  }
0x69: {  	_ =	shalt  }
0x6a: {  	_ =	shalt  }
0x6b: {  	_ =	shalt  }
0x6c: {  	_ =	shalt  }
0x6d: {  	_ =	shalt  }
0x6e: {  	_ =	shalt  }
0x6f: {  	_ =	shalt  }
0x70: {  	_ =	shalt  }
0x71: {  	_ =	shalt  }
0x72: {  	_ =	shalt  }
0x73: {  	_ =	shalt  }
0x74: {  	_ =	shalt  }
0x75: {  	_ =	shalt  }
0x76: {  	_ =	shalt  }
0x77: {  	_ =	shalt  }
0x78: {  	_ =	shalt  }
0x79: {  	_ =	shalt  }
0x7a: {  	_ =	shalt  }
0x7b: {  	_ =	shalt  }
0x7c: {  	_ =	shalt  }
0x7d: {  	_ =	shalt  }
0x7e: {  	_ =	shalt  }
0x7f: {  	_ =	shalt  }
0x80: {  	_ =	shalt  }
0x81: {  	_ =	shalt  }
0x82: {  	_ =	shalt  }
0x83: {  	_ =	shalt  }
0x84: {  	_ =	shalt  }
0x85: {  	_ =	shalt  }
0x86: {  	_ =	shalt  }
0x87: {  	_ =	shalt  }
.Lfunc_end0:
.L_simem_size_0:
called_computation_lowered:
.L_overlay_start_0:
0x88: {  	s2 =	sld [smem:$0x3FD9]  }
0x89: {  	s3 =	sld [smem:$0x3FFE];
	_ =	sdelay $0x1  }
0x8a: {  	s1 =	srdreg.scid  }
0x8b: {  	s0 =	sand.u32 $0x1, s1  }
0x8c: {  	s16 =	sshll.u32 s0, $0xA;
	s2 =	sadd.s32 s3, s2  }
0x8d: {  	s2 =	sadd.s32 s2, s16  }
0x8e: {  	[smem:$0x3FC2] =	sst s2  }
0x8f: {  	_ = 	snop  }
0x90: {  	(tm) =	ssettm $0x1  }
0x91: {  	s17 =	sld [smem:$0x3FFB];
	_ =	sdelay $0x3  }
0x92: {  	_ =	strace s17  }
0x93: {  	s2 =	sld [smem:$0x3FFC];
	_ =	sdelay $0x3  }
0x94: {  	_ =	strace s2  }
0x95: {  	s2 =	sld [smem:$0x3FFD];
	_ =	sdelay $0x3  }
0x96: {  	_ =	strace s2  }
0x97: {  	_ =	strace $0x8FFFFFFF  }
0x98: {  	s18 =	sld [smem:$0x3FDB];
	_ =	sdelay $0x1  }
0x99: {  	s19 =	simm.s32 $_scs_section_size  }
0x9a: {  	s4 =	simm.s32 $_size__tile_overlayer_lowered;
	s5 =	simm.s32 $_tile_overlayer_lowered  }
0x9b: {  	s22 =	simm.s32 $0x1BFF;
	s21 =	sshll.u32 s5, $0x1;
	s2 =	sadd.s32 s19, s18  }
0x9c: {  	s6 =	simm.s32 $0x0;
	s20 =	sshll.u32 s4, $0x1;
	s4 =	sadd.s32 s21, s2  }
0x9d: {  	[timem:s6], [sflag:s22] =	dma.local [hbm:s4], s20  }
0x9e: {  	_ =	swait.ge [sflag:s22], s20  }
0x9f: {  	s3 =	ssub.s32 $0x0, s20;
	[sflag:s22] =	ssyncset.done $0x0  }
0xa0: {  	[sflag:s22] =	ssyncadd.s32 s3;
	_ =	sdelay $0x1  }
0xa1: {  	s23 =	simm.s32 $0x1B8B  }
0xa2: {  	_ =	swait.ge [sflag:s23], $0x1  }
0xa3: {  	[sflag:s23] =	ssyncset.done $0x0  }
0xa4: {  	s25 =	simm.s32 $0x1B8E;
	s24 =	sld [smem:$0x3FFE];
	[sflag:s23] =	ssyncadd.s32 $0xFFFFFFFF  }
0xa5: {  	s26 =	simm.s32 $execute0_lowered;
	[smem:$0x3FD2] =	sst s25  }
0xa6: {  	s4 =	sshll.u32 s26, $0x1;
	_ =	strace $0x80000046;
	[dreg:$0x1] =	wrdreg $0xFFFFFFFF  }
0xa7: {  	s28 =	simm.s32 $_size_execute0_lowered;
	s2 =	sadd.s32 s2, s4;
	[dreg:$0x0] =	wrdreg $0x0  }
0xa8: {  	s4 =	sshll.u32 s28, $0x1;
	[dreg:$0x2] =	wrdreg s2  }
0xa9: {  	[dreg:$0x3] =	wrdreg s4  }
0xaa: {  	[dreg:$0x4] =	wrdreg $0xC0  }
0xab: {  	_ =	task [dreg:s6], $0x5FFFF  }
0xac: {  	[dreg:$0x1] =	wrdreg $0xFFFFFFFF  }
0xad: {  	[dreg:$0x0] =	wrdreg $0x60  }
0xae: {  	[dreg:$0x2] =	wrdreg s24  }
0xaf: {  	[dreg:$0x3] =	wrdreg $0x9  }
0xb0: {  	_ =	task.clear_ibuf [dreg:s6], $0x4FFFF;
	_ =	strace $0x90000046  }
0xb1: {  	s29 =	simm.s32 $0x9;
	_ =	strace $0x80000048  }
0xb2: {  	_ =	swait.ge [sflag:s29], $0x1  }
0xb3: {  	[sflag:s29] =	ssyncadd.s32 $0xFFFFFFFF  }
0xb4: {  	_ =	strace $0x90000048  }
0xb5: {  	_ =	sfence  }
0xb6: {  	s30 =	sld [smem:$0x0];
	_ =	sdelay $0x2  }
0xb7: {  	s31 =	sshll.u32 s1, $0xD;
	s1 =	sshrl.u32 s1, $0x2  }
0xb8: {  	s3 =	sand.u32 $0x4000, s31;
	s1 =	sadd.s32 s1, s30  }
0xb9: {  	s0 =	sor.u32 s3, s0;
	s1 =	sshll.u32 s1, $0x11  }
0xba: {  	s0 =	sor.u32 s1, s0  }
0xbb: {  	s0 =	sadd.s32 $0x8F2B, s0  }
0xbc: {  	[sflag:s0] =	ssyncadd.remote.s32 $0x1  }
0xbd: {  	_ =	sfence.sel $0xFFFF  }
0xbe: {  	[dreg:$0x0] =	wrdreg $0xFFFFFFFF;
	(pc) =	sbr.abs _section_cstart, $3  }
0xbf: {  	[dreg:$0x1] =	wrdreg $0xFFFFFFFF  }
0xc0: {  	_ =	task.clear_ibuf [dreg:s6], $0x2FFFF;
	_ =	strace $0x9FFFFFFF  }
0xc1: {  	(tm) =	ssettm $0x7FFFFFFF  }
tec
execute0_lowered:
.L_overlay_start_1:
0x0: {  	(tag) =	ssettag $0x1  }
0x1: {  	s0 =	srdreg.scid;
	s3 =	simm.s32 $0x1  }
0x2: {  	s5 =	rddreg [dreg:$0x0];
	s2 =	simm.s32 $0x0;
	s12 =	simm.s32 $0x80  }
0x3: {  	s13 =	simm.s32 $0xC440;
	s14 =	simm.s32 $0xC3C0;
	s15 =	simm.s32 $0x10440  }
0x4: {  	s16 =	simm.s32 $0x2;
	s17 =	simm.s32 $0x0;
	s4 =	sand.u32 $0x1, s0  }
0x5: {  	s0 =	stileid.u32;
	[smem:$0x7FF] =	sst s2;
	s1 =	sshll.u32 s4, $0x4  }
0x6: {  	s6 =	sand.u32 $0x3, s0;
	s29 =	ssub.s32 $0x2, s4;
	s1 =	sor.u32 s0, s1  }
0x7: {  	s4 =	sadd.s32 $0x1200, s5;
	p1 =	sne.s32 s6, $0x0;
	p0 =	seq.s32 s1, $0x0  }
0x8: {  	v0 =	vlaneseq.u32;
	s10 =	sshll.u32 s6, $0xF;
	s11 =	sshrl.u32 s29, $0x1;
	p0 =	por !p1, !p0  }
0x9: {  	v1 =	vmul.u32 $0x2, v0;
	s6 =	sshll.u32 s6, $0x7;
	s7 =	sshrl.u32 s1, $0x2;
	p0 =	por !p0, !p0  }
0xa: {  	s1 =	rddreg [dreg:$0x1];
	_ =	strace $0x80000047;
	s3 =	simm.s32 @!p0 $0x0  }
0xb: {  	v3 =	vimm.s32 $0x0;
	v4 =	vimm.s32 $0x1;
	v5 =	vor.u32 $0x1, v1;
	s31 =	ssub.s32 s29, s11;
	s11 =	simm.s32 $0xC340;
	s7 =	ssub.s32 s7, s3  }
.Ltmp0:
0xc: {  	v6 =	vor.u32 $0x20, v1;
	v7 =	vor.u32 $0x21, v1;
	v8 =	vor.u32 $0x40, v1;
	s8 =	sshll.u32 s7, $0xB;
	s9 =	sshll.u32 s7, $0x11;
	(pc) =	sbr.rel .LBB2_1-.Ltmp0, $4  }
0xd: {  	v9 =	vor.u32 $0x41, v1;
	v10 =	vor.u32 $0x60, v1;
	v11 =	vor.u32 $0x61, v1;
	s3 =	simm.s32 $0x1;
	s8 =	sand.u32 $0x1FFFF800, s8;
	s9 =	sor.u32 s10, s9  }
0xe: {  	v12 =	vor.u32 $0x80, v1;
	v13 =	vor.u32 $0x81, v1;
	v14 =	vor.u32 $0xA0, v1;
	s7 =	sshll.u32 s7, $0xF;
	s8 =	sadd.s32 s8, s5;
	s9 =	sshrl.u32 s9, $0x3  }
0xf: {  	v15 =	vor.u32 $0xA1, v1;
	v16 =	vor.u32 $0xC0, v1;
	v17 =	vor.u32 $0xC1, v1;
	s10 =	simm.s32 $0x4000;
	s30 =	sadd.s32 s9, s5;
	s5 =	sadd.s32 $0x401200, s8  }
0x10: {  	v18 =	vor.u32 $0xE0, v1;
	v19 =	vor.u32 $0xE1, v1;
	v2 =	vmov s7;
	s8 =	smax.u32 s31, $0x1;
	s9 =	simm.s32 $0x3;
	s7 =	sadd.s32 $0x405200, s30  }
.LBB2_55:
0x11: {  	v20 =	vld [tilespmem:s6+$0xC120];
	_ =	sdelay $0x4  }
0x12: {  	v20 =	vshll.u32 v20, $0x1  }
0x13: {  	v20 =	vadd.s32 v2, v20  }
0x14: {  	[tilespmem:v1+s11+$0x0] =	vst.idx.msk $0xffff, v20;
	v20 =	vor.u32 $0x1, v20  }
0x15: {  	[tilespmem:v5+s11+$0x0] =	vst.idx.msk $0xffff, v20  }
0x16: {  	v20 =	vld [tilespmem:s6+$0xC130];
	_ =	sdelay $0x4  }
0x17: {  	v20 =	vshll.u32 v20, $0x1  }
0x18: {  	v20 =	vadd.s32 v2, v20  }
0x19: {  	[tilespmem:v6+s11+$0x0] =	vst.idx.msk $0xffff, v20;
	v20 =	vor.u32 $0x1, v20  }
0x1a: {  	[tilespmem:v7+s11+$0x0] =	vst.idx.msk $0xffff, v20  }
0x1b: {  	v20 =	vld [tilespmem:s6+$0xC140];
	_ =	sdelay $0x4  }
0x1c: {  	v20 =	vshll.u32 v20, $0x1  }
0x1d: {  	v20 =	vadd.s32 v2, v20  }
0x1e: {  	[tilespmem:v8+s11+$0x0] =	vst.idx.msk $0xffff, v20;
	v20 =	vor.u32 $0x1, v20  }
0x1f: {  	[tilespmem:v9+s11+$0x0] =	vst.idx.msk $0xffff, v20  }
0x20: {  	v20 =	vld [tilespmem:s6+$0xC150];
	_ =	sdelay $0x4  }
0x21: {  	v20 =	vshll.u32 v20, $0x1  }
0x22: {  	v20 =	vadd.s32 v2, v20  }
0x23: {  	[tilespmem:v10+s11+$0x0] =	vst.idx.msk $0xffff, v20;
	v20 =	vor.u32 $0x1, v20  }
0x24: {  	[tilespmem:v11+s11+$0x0] =	vst.idx.msk $0xffff, v20  }
0x25: {  	v20 =	vld [tilespmem:s6+$0xC160];
	_ =	sdelay $0x4  }
0x26: {  	v20 =	vshll.u32 v20, $0x1  }
0x27: {  	v20 =	vadd.s32 v2, v20  }
0x28: {  	[tilespmem:v12+s11+$0x0] =	vst.idx.msk $0xffff, v20;
	v20 =	vor.u32 $0x1, v20  }
0x29: {  	[tilespmem:v13+s11+$0x0] =	vst.idx.msk $0xffff, v20  }
0x2a: {  	v20 =	vld [tilespmem:s6+$0xC170];
	_ =	sdelay $0x4  }
0x2b: {  	v20 =	vshll.u32 v20, $0x1  }
0x2c: {  	v20 =	vadd.s32 v2, v20  }
0x2d: {  	[tilespmem:v14+s11+$0x0] =	vst.idx.msk $0xffff, v20;
	v20 =	vor.u32 $0x1, v20  }
0x2e: {  	[tilespmem:v15+s11+$0x0] =	vst.idx.msk $0xffff, v20  }
0x2f: {  	v20 =	vld [tilespmem:s6+$0xC180];
	_ =	sdelay $0x4  }
0x30: {  	v20 =	vshll.u32 v20, $0x1  }
0x31: {  	v20 =	vadd.s32 v2, v20  }
0x32: {  	[tilespmem:v16+s11+$0x0] =	vst.idx.msk $0xffff, v20;
	v20 =	vor.u32 $0x1, v20  }
0x33: {  	[tilespmem:v17+s11+$0x0] =	vst.idx.msk $0xffff, v20  }
0x34: {  	v20 =	vld [tilespmem:s6+$0xC190];
	_ =	sdelay $0x4  }
0x35: {  	v20 =	vshll.u32 v20, $0x1  }
0x36: {  	v20 =	vadd.s32 v2, v20  }
0x37: {  	[tilespmem:v18+s11+$0x0] =	vst.idx.msk $0xffff, v20;
	v20 =	vor.u32 $0x1, v20  }
0x38: {  	[tilespmem:v19+s11+$0x0] =	vst.idx.msk $0xffff, v20  }
0x39: {  	[tilespmem:s13], [sflag:$0x1] =	stream.indirect.gather [hbm4b:s4+s12], $0x80, s11, s12, $0xb8;
	[tilespmem:$0x14440] =	vst v63  }
0x3a: {  	_ = 	snop  }
0x3b: {  	[tilespmem:s15], [sflag:$0x2] =	stream.indirect.gather [hbm4b:s4+s12], $0x80, s14, s12, $0xb8;
	[tilespmem:$0x14440] =	vst v63  }
0x3c: {  	_ =	swait.ge [sflag:s3], $0x4000  }
0x3d: {  	[sflag:s3] =	ssyncset.done $0x0  }
0x3e: {  	[sflag:s3] =	ssyncadd.s32 $0xFFFFC000  }
0x3f: {  	s17 =	sadd.s32 $0x1, s17;
	_ =	swait.ge [sflag:s16], $0x4000  }
0x40: {  	p0 =	sne.s32 s17, s8;
	[sflag:s16] =	ssyncset.done $0x0  }
.Ltmp1:
0x41: {  	[sflag:s16] =	ssyncadd.s32 $0xFFFFC000;
	(pc) =	sbr.rel @!p0 .LBB2_56-.Ltmp1, $4  }
0x42: {  	[hbm4b:s7+s2] =	stream.linear.scatter [tilespmem:s13], [sflag:$0x3], $0x8000, $0x38;
	[tilespmem:$0x14440] =	vst v63  }
0x43: {  	_ =	swait.ge [sflag:s9], $0x8000  }
0x44: {  	[sflag:s9] =	ssyncset.done $0x0  }
0x45: {  	[sflag:s9] =	ssyncadd.s32 $0xFFFF8000  }
.LBB2_1:
0x46: {  	[tilespmem:s2], [sflag:$0x3] =	stream.linear.gather [hbm4b:s5+s2], $0x4000, $0x38;
	[tilespmem:$0x14440] =	vst v63  }
0x47: {  	_ =	swait.ge [sflag:s9], $0x4000  }
0x48: {  	[sflag:s9] =	ssyncset.done $0x0  }
0x49: {  	[sflag:s9] =	ssyncadd.s32 $0xFFFFC000  }
0x4a: {  	[tilespmem:$0x4000] =	vst v3  }
0x4b: {  	[tilespmem:$0x4010] =	vst v3  }
0x4c: {  	[tilespmem:$0x4020] =	vst v3  }
0x4d: {  	[tilespmem:$0x4030] =	vst v3  }
0x4e: {  	[tilespmem:$0x4040] =	vst v3  }
0x4f: {  	[tilespmem:$0x4050] =	vst v3  }
0x50: {  	[tilespmem:$0x4060] =	vst v3  }
0x51: {  	[tilespmem:$0x4070] =	vst v3  }
0x52: {  	[tilespmem:$0x4080] =	vst v3  }
0x53: {  	[tilespmem:$0x4090] =	vst v3  }
0x54: {  	[tilespmem:$0x40A0] =	vst v3  }
0x55: {  	[tilespmem:$0x40B0] =	vst v3  }
0x56: {  	[tilespmem:$0x40C0] =	vst v3  }
0x57: {  	[tilespmem:$0x40D0] =	vst v3  }
0x58: {  	[tilespmem:$0x40E0] =	vst v3  }
0x59: {  	s18 =	simm.s32 $0x0;
	[tilespmem:$0x40F0] =	vst v3  }
.LBB2_2:
0x5a: {  	s19 =	sshra.s32 s18, $0x2  }
0x5b: {  	v20 =	vld [tilespmem:s19+$0x0];
	_ =	sdelay $0x4  }
0x5c: {  	p0 =	sne.s32 s18, $0xFFC0;
	v20 =	vshrl.u32 v20, $0x18  }
.Ltmp2:
0x5d: {  	_ = 	snop;
	(pc) =	sbr.rel @p0 .LBB2_2-.Ltmp2, $2  }
0x5e: {  	_ =	sdelay $0x2  }
0x5f: {  	s18 =	sadd.s32 $0x40, s18;
	[tilespmem:v20+s10+$0x0] =	vst.idx.add.s32.msk $0xffff, v4  }
0x60: {  	s18 =	simm.s32 $0x0  }
0x61: {  	v20 =	vld [tilespmem:s18+$0x4000];
	_ =	sdelay $0x4  }
0x62: {  	(xrf0) =	vadd.scan.msk.s32 $0xffff, v20;
	_ =	sdelay $0x5  }
0x63: {  	s19 =	simm.s32 $0x0;
	v20, _, _ =	vpop (xrf0)  }
0x64: {  	v20 =	vadd.s32 s19, v20  }
0x65: {  	vm0 =	vlt.s32 v20, $0x200;
	v20 =	vxor.u32 $0x80000000, v20  }
0x66: {  	(xrf0) =	vmax.scan.msk.u32 $0xffff, v20;
	_ =	sdelay $0x1  }
0x67: {  	v21 =	vnsel vm0, $0x80000000, v20  }
0x68: {  	v20 =	vmpcnt.ones.xlane vm0;
	(xrf0) =	vmax.scan.msk.u32 $0xffff, v21;
	_ =	sdelay $0x1  }
0x69: {  	v20 =	vxor.u32 $0x80000000, v20  }
0x6a: {  	v21, _, _ =	vpop (xrf0);
	(xrf0) =	vmax.scan.msk.u32 $0xffff, v20;
	_ =	sdelay $0x2  }
0x6b: {  	s20 =	simm.s32 $0x40;
	s21 =	simm.s32 $0x80;
	s18 =	simm.s32 $0x0;
	v20, _, _ =	vpop (xrf0);
	(v2sf) =	vpush v21, $0xF  }
.LBB2_4:
0x6c: {  	s22 =	smov.u32 s19  }
0x6d: {  	p0 =	sne.s32 s21, $0x3C0;
	(v2sf) =	vpush v20, $0xF  }
0x6e: {  	v20, _, _ =	vpop (xrf0)  }
0x6f: {  	(v2sf) =	vpush v20, $0xF  }
0x70: {  	s19 =	sshra.s32 s20, $0x2;
	s20 =	smov.u32 s21  }
0x71: {  	v20 =	vld [tilespmem:s19+$0x4000];
	_ =	sdelay $0x4  }
0x72: {  	(xrf0) =	vadd.scan.msk.s32 $0xffff, v20;
	_ =	sdelay $0x4  }
0x73: {  	s19 =	spop (v2sf)  }
0x74: {  	v20, _, _ =	vpop (xrf0);
	s19 =	sxor.u32 $0x80000000, s19;
	s23 =	spop (v2sf)  }
0x75: {  	v20 =	vadd.s32 s19, v20;
	s19 =	sxor.u32 $0x80000000, s23  }
0x76: {  	vm0 =	vlt.s32 v20, $0x200;
	v20 =	vxor.u32 $0x80000000, v20;
	p1 =	sgt.s32 s22, s19;
	s23 =	spop (v2sf)  }
0x77: {  	v21 =	vmpcnt.ones.xlane vm0;
	v22 =	vnsel vm0, $0x80000000, v20;
	(xrf0) =	vmax.scan.msk.u32 $0xffff, v20;
	s18 =	sadd.s32 s23, s18;
	s19 =	smov.u32 @p1 s22  }
0x78: {  	(xrf0) =	vmax.scan.msk.u32 $0xffff, v22;
	s18 =	sadd.s32 $0x80000000, s18  }
0x79: {  	v20 =	vxor.u32 $0x80000000, v21  }
.Ltmp3:
0x7a: {  	(xrf0) =	vmax.scan.msk.u32 $0xffff, v20;
	(pc) =	sbr.rel @p0 .LBB2_4-.Ltmp3, $3  }
0x7b: {  	_ =	sdelay $0x1  }
0x7c: {  	v21, _, _ =	vpop (xrf0)  }
0x7d: {  	s21 =	sadd.s32 $0x40, s21;
	v20, _, _ =	vpop (xrf0);
	(v2sf) =	vpush v21, $0xF  }
0x7e: {  	_ =	sdelay $0x2  }
0x7f: {  	s20 =	sshra.s32 s20, $0x2  }
0x80: {  	v21 =	vld [tilespmem:s20+$0x4000];
	_ =	sdelay $0x4  }
0x81: {  	(xrf0) =	vadd.scan.msk.s32 $0xffff, v21;
	_ =	sdelay $0x4  }
0x82: {  	v21, _, _ =	vpop (xrf0);
	s28 =	spop (v2sf)  }
0x83: {  	v22, _, _ =	vpop (xrf0);
	s20 =	sxor.u32 $0x80000000, s28  }
0x84: {  	v22 =	vadd.s32 s20, v22  }
0x85: {  	vm0 =	vlt.s32 v22, $0x200  }
0x86: {  	v22 =	vxor.u32 $0x80000000, v22;
	v23 =	vmpcnt.ones.xlane vm0  }
0x87: {  	(xrf0) =	vmax.scan.msk.u32 $0xffff, v22;
	v22 =	vnsel vm0, $0x80000000, v22  }
0x88: {  	(xrf0) =	vmax.scan.msk.u32 $0xffff, v22;
	v22 =	vxor.u32 $0x80000000, v23  }
0x89: {  	(xrf0) =	vmax.scan.msk.u32 $0xffff, v22;
	_ =	sdelay $0x2  }
0x8a: {  	(v2sf) =	vpush v20, $0xF  }
0x8b: {  	(v2sf) =	vpush v21, $0xF;
	v20, _, _ =	vpop (xrf0)  }
0x8c: {  	v21, _, _ =	vpop (xrf0);
	(v2sf) =	vpush v20, $0xF  }
0x8d: {  	(v2sf) =	vpush v21, $0xF;
	v20, _, _ =	vpop (xrf0)  }
0x8e: {  	(v2sf) =	vpush v20, $0xF;
	_ =	sdelay $0xa  }
0x8f: {  	s29 =	spop (v2sf)  }
0x90: {  	s22 =	simm.s32 $0x0;
	s21 =	spop (v2sf)  }
0x91: {  	v21 =	vld [tilespmem:s22+$0x0];
	s23 =	spop (v2sf)  }
0x92: {  	s18 =	sadd.s32 s21, s18;
	s30 =	spop (v2sf)  }
0x93: {  	s18 =	sadd.s32 $0x80000000, s18;
	s31 =	spop (v2sf)  }
0x94: {  	s18 =	sadd.s32 s31, s18  }
0x95: {  	s18 =	sadd.s32 $0x80000000, s18  }
0x96: {  	v22 =	vshrl.u32 v21, $0x18;
	v20 =	vmov s18  }
0x97: {  	vm15 =	veq.s32 v22, v20  }
0x98: {  	v22 =	vmpcnt.ones.xlane vm15;
	_ =	sdelay $0x1  }
0x99: {  	v22 =	vxor.u32 $0x80000000, v22  }
0x9a: {  	(xrf0) =	vmax.scan.msk.u32 $0xffff, v22;
	_ =	sdelay $0x2  }
0x9b: {  	s22 =	sxor.u32 $0x80000000, s29  }
0x9c: {  	p0 =	sgt.s32 s19, s22  }
0x9d: {  	s22 =	smov.u32 @p0 s19;
	s19 =	sxor.u32 $0x80000000, s30  }
0x9e: {  	s20 =	simm.s32 $0x0;
	p0 =	sgt.s32 s22, s19;
	v22, _, _ =	vpop (xrf0)  }
0x9f: {  	s21 =	simm.s32 $0x80;
	s19 =	smov.u32 @p0 s22;
	s22 =	simm.s32 $0x10;
	[tilespmem:s20+$0x4100] =	vst.msk vm15, v21;
	(v2sf) =	vpush v22, $0xF  }
.LBB2_6:
0xa0: {  	p0 =	sne.s32 s21, $0xFFC0;
	v21 =	vld [tilespmem:s22+$0x0];
	_ =	sdelay $0x4  }
0xa1: {  	v22 =	vshrl.u32 v21, $0x18  }
0xa2: {  	vm0 =	veq.s32 v22, v20  }
0xa3: {  	v22 =	vmpcnt.ones.xlane vm0;
	_ =	sdelay $0x1  }
0xa4: {  	v22 =	vxor.u32 $0x80000000, v22  }
0xa5: {  	(xrf0) =	vmax.scan.msk.u32 $0xffff, v22;
	_ =	sdelay $0x2  }
.Ltmp4:
0xa6: {  	(pc) =	sbr.rel @p0 .LBB2_6-.Ltmp4, $4  }
0xa7: {  	s22 =	spop (v2sf)  }
0xa8: {  	s20 =	sadd.s32 s22, s20  }
0xa9: {  	v22, _, _ =	vpop (xrf0);
	s20 =	sadd.s32 $0x80000000, s20  }
0xaa: {  	s22 =	sshra.s32 s21, $0x2;
	s21 =	sadd.s32 $0x40, s21;
	[tilespmem:s20+$0x4100] =	vst.msk vm0, v21;
	(v2sf) =	vpush v22, $0xF  }
0xab: {  	v21 =	vld [tilespmem:s22+$0x0];
	_ =	sdelay $0x4  }
0xac: {  	v22 =	vshrl.u32 v21, $0x18  }
0xad: {  	vm0 =	veq.s32 v22, v20  }
0xae: {  	v20 =	vmpcnt.ones.xlane vm0;
	_ =	sdelay $0x1  }
0xaf: {  	v20 =	vxor.u32 $0x80000000, v20  }
0xb0: {  	(xrf0) =	vmax.scan.msk.u32 $0xffff, v20;
	_ =	sdelay $0x5  }
0xb1: {  	v20, _, _ =	vpop (xrf0)  }
0xb2: {  	(v2sf) =	vpush v20, $0xF;
	_ =	sdelay $0xa  }
0xb3: {  	s21 =	spop (v2sf)  }
0xb4: {  	s20 =	sadd.s32 s21, s20  }
0xb5: {  	s20 =	sadd.s32 $0x80000000, s20  }
0xb6: {  	[tilespmem:s20+$0x4100] =	vst.msk vm0, v21  }
0xb7: {  	[tilespmem:$0x4000] =	vst v3;
	s28 =	spop (v2sf)  }
0xb8: {  	[tilespmem:$0x4010] =	vst v3;
	s20 =	sadd.s32 s28, s20  }
0xb9: {  	[tilespmem:$0x4020] =	vst v3;
	s20 =	sadd.s32 $0x80000000, s20  }
0xba: {  	[tilespmem:$0x4030] =	vst v3;
	s29 =	sadd.s32 $0xF, s20  }
0xbb: {  	[tilespmem:$0x4040] =	vst v3;
	s30 =	sand.u32 $0xF, s29  }
0xbc: {  	[tilespmem:$0x4050] =	vst v3;
	s31 =	sshra.s32 s29, $0x1F;
	p1 =	slt.s32 s29, $0x1;
	p0 =	sne.s32 s30, $0x0  }
0xbd: {  	[tilespmem:$0x4060] =	vst v3;
	s22 =	sshrl.u32 s31, $0x1C;
	p0 =	por !p1, !p0  }
0xbe: {  	[tilespmem:$0x4070] =	vst v3;
	s21 =	sadd.s32 s22, s29;
	s22 =	simm.s32 $0x1;
	p0 =	por !p0, !p0  }
0xbf: {  	[tilespmem:$0x4080] =	vst v3;
	s21 =	sshra.s32 s21, $0x4;
	s22 =	simm.s32 @!p0 $0x0  }
0xc0: {  	[tilespmem:$0x4090] =	vst v3;
	s22 =	ssub.s32 s21, s22  }
0xc1: {  	[tilespmem:$0x40A0] =	vst v3;
	p0 =	slt.s32 s22, $0x1  }
.Ltmp5:
0xc2: {  	[tilespmem:$0x40B0] =	vst v3;
	(pc) =	sbr.rel @p0 .LBB2_14-.Ltmp5, $4  }
0xc3: {  	[tilespmem:$0x40C0] =	vst v3  }
0xc4: {  	[tilespmem:$0x40D0] =	vst v3  }
0xc5: {  	[tilespmem:$0x40E0] =	vst v3  }
0xc6: {  	[tilespmem:$0x40F0] =	vst v3;
	v20 =	vmov s20  }
0xc7: {  	p2 =	seq.s32 s22, $0x1  }
.Ltmp6:
0xc8: {  	_ = 	snop;
	(pc) =	sbr.rel @p2 .LBB2_9-.Ltmp6, $3  }
0xc9: {  	_ =	sdelay $0x1  }
0xca: {  	s21 =	simm.s32 $0x4100  }
0xcb: {  	s20 =	simm.s32 $0x0;
	p1 =	por $0x0, $0x0;
	v21 =	vld [tilespmem:s21+$0x0];
	s21 =	sadd.s32 $0xFFFFFFFF, s22  }
0xcc: {  	_ =	sdelay $0x2  }
0xcd: {  	v22 =	vor.u32 s20, v0  }
0xce: {  	vm0 =	vlt.s32 v22, v20;
	v21 =	vshrl.u32 v21, $0x10  }
0xcf: {  	v21 =	vand.u32 $0xFF, v21  }
0xd0: {  	p2 =	seq.s32 s21, $0x1  }
.Ltmp7:
0xd1: {  	_ = 	snop;
	(pc) =	sbr.rel @p2 .LBB2_11-.Ltmp7, $3  }
0xd2: {  	_ =	sdelay $0x1  }
0xd3: {  	s23 =	simm.s32 $0x4110;
	[tilespmem:v21+s10+$0x0] =	vst.idx.add.s32.msk vm0, v4  }
0xd4: {  	s24 =	sadd.s32 $0xFFFFFFFF, s21;
	p1 =	por $0x1, $0x1;
	s21 =	simm.s32 $0x0;
	v21 =	vld [tilespmem:s23+$0x0]  }
.LBB2_12:
0xd5: {  	p2 =	seq.s32 s24, $0x1;
	_ =	sdelay $0x1  }
0xd6: {  	s21 =	sadd.s32 $0x10, s21  }
0xd7: {  	v22 =	vor.u32 s21, v0  }
0xd8: {  	vm0 =	vlt.s32 v22, v20;
	v21 =	vshrl.u32 v21, $0x10  }
0xd9: {  	v21 =	vand.u32 $0xFF, v21;
	_ =	sdelay $0x1  }
.Ltmp8:
0xda: {  	(pc) =	sbr.rel @!p2 .LBB2_12-.Ltmp8, $3  }
0xdb: {  	_ =	sdelay $0x1  }
0xdc: {  	s23 =	sadd.s32 $0x10, s23;
	[tilespmem:v21+s10+$0x0] =	vst.idx.add.s32.msk vm0, v4  }
0xdd: {  	s24 =	sadd.s32 $0xFFFFFFFF, s24;
	v21 =	vld [tilespmem:s23+$0x0]  }
.LBB2_13:
0xde: {  	_ = 	snop  }
0xdf: {  	s21 =	sadd.s32 @p1 $0x10, s21  }
0xe0: {  	s20 =	smov.u32 @p1 s21  }
0xe1: {  	v22 =	vor.u32 s20, v0  }
0xe2: {  	vm0 =	vlt.s32 v22, v20;
	v21 =	vshrl.u32 v21, $0x10  }
0xe3: {  	v21 =	vand.u32 $0xFF, v21;
	_ =	sdelay $0x4  }
0xe4: {  	[tilespmem:v21+s10+$0x0] =	vst.idx.add.s32.msk vm0, v4  }
.LBB2_14:
0xe5: {  	s31 =	simm.s32 $0x0  }
0xe6: {  	v22 =	vld [tilespmem:s31+$0x4000];
	_ =	sdelay $0x4  }
0xe7: {  	(xrf0) =	vadd.scan.msk.s32 $0xffff, v22;
	_ =	sdelay $0x5  }
0xe8: {  	s20 =	ssub.s32 $0x200, s19;
	s21 =	simm.s32 $0x0;
	v22, _, _ =	vpop (xrf0)  }
0xe9: {  	v21 =	vmov s20;
	v22 =	vadd.s32 s21, v22  }
0xea: {  	vm0 =	vlt.s32 v22, v21;
	v22 =	vxor.u32 $0x80000000, v22  }
0xeb: {  	(xrf0) =	vmax.scan.msk.u32 $0xffff, v22;
	_ =	sdelay $0x1  }
0xec: {  	v23 =	vnsel vm0, $0x80000000, v22  }
0xed: {  	v22 =	vmpcnt.ones.xlane vm0;
	(xrf0) =	vmax.scan.msk.u32 $0xffff, v23;
	_ =	sdelay $0x1  }
0xee: {  	v22 =	vxor.u32 $0x80000000, v22  }
0xef: {  	v23, _, _ =	vpop (xrf0);
	(xrf0) =	vmax.scan.msk.u32 $0xffff, v22;
	_ =	sdelay $0x2  }
0xf0: {  	s23 =	simm.s32 $0x40;
	s24 =	simm.s32 $0x80;
	s19 =	simm.s32 $0x0;
	v22, _, _ =	vpop (xrf0);
	(v2sf) =	vpush v23, $0xF  }
.LBB2_15:
0xf1: {  	s25 =	smov.u32 s21  }
0xf2: {  	p1 =	sne.s32 s24, $0x3C0;
	(v2sf) =	vpush v22, $0xF  }
0xf3: {  	v22, _, _ =	vpop (xrf0)  }
0xf4: {  	(v2sf) =	vpush v22, $0xF  }
0xf5: {  	s21 =	sshra.s32 s23, $0x2;
	s23 =	smov.u32 s24  }
0xf6: {  	v22 =	vld [tilespmem:s21+$0x4000];
	_ =	sdelay $0x4  }
0xf7: {  	(xrf0) =	vadd.scan.msk.s32 $0xffff, v22;
	_ =	sdelay $0x4  }
0xf8: {  	s21 =	spop (v2sf)  }
0xf9: {  	v22, _, _ =	vpop (xrf0);
	s21 =	sxor.u32 $0x80000000, s21;
	s26 =	spop (v2sf)  }
0xfa: {  	v22 =	vadd.s32 s21, v22;
	s21 =	sxor.u32 $0x80000000, s26  }
0xfb: {  	vm0 =	vlt.s32 v22, v21;
	v22 =	vxor.u32 $0x80000000, v22;
	p2 =	sgt.s32 s25, s21;
	s26 =	spop (v2sf)  }
0xfc: {  	v23 =	vmpcnt.ones.xlane vm0;
	v24 =	vnsel vm0, $0x80000000, v22;
	(xrf0) =	vmax.scan.msk.u32 $0xffff, v22;
	s19 =	sadd.s32 s26, s19;
	s21 =	smov.u32 @p2 s25  }
0xfd: {  	(xrf0) =	vmax.scan.msk.u32 $0xffff, v24;
	s19 =	sadd.s32 $0x80000000, s19  }
0xfe: {  	v22 =	vxor.u32 $0x80000000, v23  }
.Ltmp9:
0xff: {  	(xrf0) =	vmax.scan.msk.u32 $0xffff, v22;
	(pc) =	sbr.rel @p1 .LBB2_15-.Ltmp9, $3  }
0x100: {  	_ =	sdelay $0x1  }
0x101: {  	v23, _, _ =	vpop (xrf0)  }
0x102: {  	s24 =	sadd.s32 $0x40, s24;
	v22, _, _ =	vpop (xrf0);
	(v2sf) =	vpush v23, $0xF  }
0x103: {  	_ =	sdelay $0x2  }
0x104: {  	s23 =	sshra.s32 s23, $0x2  }
0x105: {  	v23 =	vld [tilespmem:s23+$0x4000];
	_ =	sdelay $0x4  }
0x106: {  	(xrf0) =	vadd.scan.msk.s32 $0xffff, v23;
	_ =	sdelay $0x4  }
0x107: {  	v23, _, _ =	vpop (xrf0);
	s28 =	spop (v2sf)  }
0x108: {  	v24, _, _ =	vpop (xrf0);
	s23 =	sxor.u32 $0x80000000, s28  }
0x109: {  	v24 =	vadd.s32 s23, v24  }
0x10a: {  	vm0 =	vlt.s32 v24, v21  }
0x10b: {  	v21 =	vxor.u32 $0x80000000, v24;
	v63 =	vmpcnt.ones.xlane vm0  }
0x10c: {  	(xrf0) =	vmax.scan.msk.u32 $0xffff, v21;
	v21 =	vnsel vm0, $0x80000000, v21  }
0x10d: {  	(xrf0) =	vmax.scan.msk.u32 $0xffff, v21;
	v21 =	vxor.u32 $0x80000000, v63  }
0x10e: {  	(xrf0) =	vmax.scan.msk.u32 $0xffff, v21;
	_ =	sdelay $0x2  }
0x10f: {  	(v2sf) =	vpush v22, $0xF  }
0x110: {  	(v2sf) =	vpush v23, $0xF;
	v21, _, _ =	vpop (xrf0)  }
0x111: {  	v22, _, _ =	vpop (xrf0);
	(v2sf) =	vpush v21, $0xF  }
0x112: {  	(v2sf) =	vpush v22, $0xF;
	v21, _, _ =	vpop (xrf0)  }
0x113: {  	(v2sf) =	vpush v21, $0xF;
	_ =	sdelay $0xa  }
0x114: {  	s29 =	spop (v2sf)  }
0x115: {  	s24 =	spop (v2sf);
	s23 =	sxor.u32 $0x80000000, s29  }
.Ltmp10:
0x116: {  	p1 =	sgt.s32 s21, s23;
	s25 =	spop (v2sf);
	(pc) =	sbr.rel @p0 .LBB2_17-.Ltmp10, $4  }
0x117: {  	s19 =	sadd.s32 s24, s19;
	s23 =	smov.u32 @p1 s21;
	s30 =	spop (v2sf)  }
0x118: {  	s19 =	sadd.s32 $0x80000000, s19;
	s21 =	sxor.u32 $0x80000000, s30;
	s31 =	spop (v2sf)  }
0x119: {  	p1 =	sgt.s32 s23, s21;
	s19 =	sadd.s32 s31, s19  }
0x11a: {  	s21 =	smov.u32 @p1 s23;
	s19 =	sadd.s32 $0x80000000, s19  }
0x11b: {  	p1 =	sne.s32 s22, $0x1  }
.Ltmp11:
0x11c: {  	_ = 	snop;
	(pc) =	sbr.rel @!p1 .LBB2_19-.Ltmp11, $3  }
0x11d: {  	_ =	sdelay $0x1  }
0x11e: {  	s24 =	simm.s32 $0x4100  }
0x11f: {  	v22 =	vmov s19;
	s23 =	simm.s32 $0x0;
	s22 =	sadd.s32 $0xFFFFFFFF, s22;
	p0 =	por $0x0, $0x0;
	v21 =	vld [tilespmem:s24+$0x0]  }
0x120: {  	_ =	sdelay $0x3  }
0x121: {  	v23 =	vshrl.u32 v21, $0x10  }
0x122: {  	v24 =	vor.u32 s23, v0;
	v23 =	vand.u32 $0xFF, v23  }
0x123: {  	vm0 =	vlt.s32 v24, v20;
	vm1 =	veq.s32 v23, v22  }
0x124: {  	vm0 =	vmand vm0, vm1  }
0x125: {  	v23 =	vmpcnt.ones.xlane vm0;
	_ =	sdelay $0x1  }
0x126: {  	v23 =	vxor.u32 $0x80000000, v23  }
0x127: {  	(xrf0) =	vmax.scan.msk.u32 $0xffff, v23;
	_ =	sdelay $0x1  }
0x128: {  	p1 =	sne.s32 s22, $0x1  }
.Ltmp12:
0x129: {  	_ = 	snop;
	(pc) =	sbr.rel @!p1 .LBB2_21-.Ltmp12, $3  }
0x12a: {  	_ =	sdelay $0x1  }
0x12b: {  	s25 =	simm.s32 $0x4110;
	s26 =	sadd.s32 $0xFFFFFFFF, s22;
	[tilespmem:s23+$0x8110] =	vst.msk vm0, v21;
	v23, _, _ =	vpop (xrf0)  }
0x12c: {  	p0 =	por $0x1, $0x1;
	s24 =	simm.s32 $0x0;
	s22 =	simm.s32 $0x0;
	v21 =	vld [tilespmem:s25+$0x0];
	(v2sf) =	vpush v23, $0xF  }
.LBB2_22:
0x12d: {  	p1 =	sne.s32 s26, $0x1;
	_ =	sdelay $0x3  }
0x12e: {  	s24 =	sadd.s32 $0x10, s24;
	v23 =	vshrl.u32 v21, $0x10  }
0x12f: {  	v24 =	vor.u32 s24, v0;
	v23 =	vand.u32 $0xFF, v23  }
0x130: {  	vm0 =	vlt.s32 v24, v20;
	vm1 =	veq.s32 v23, v22  }
0x131: {  	vm0 =	vmand vm0, vm1  }
0x132: {  	v23 =	vmpcnt.ones.xlane vm0;
	_ =	sdelay $0x1  }
0x133: {  	v23 =	vxor.u32 $0x80000000, v23  }
0x134: {  	(xrf0) =	vmax.scan.msk.u32 $0xffff, v23;
	_ =	sdelay $0x2  }
.Ltmp13:
0x135: {  	s28 =	spop (v2sf);
	(pc) =	sbr.rel @p1 .LBB2_22-.Ltmp13, $4  }
0x136: {  	s22 =	sadd.s32 s28, s22  }
0x137: {  	s22 =	sadd.s32 $0x80000000, s22  }
0x138: {  	s25 =	sadd.s32 $0x10, s25;
	[tilespmem:s22+$0x8110] =	vst.msk vm0, v21;
	v23, _, _ =	vpop (xrf0)  }
0x139: {  	s26 =	sadd.s32 $0xFFFFFFFF, s26;
	v21 =	vld [tilespmem:s25+$0x0];
	(v2sf) =	vpush v23, $0xF  }
.LBB2_23:
0x13a: {  	_ =	sdelay $0x2  }
0x13b: {  	s24 =	sadd.s32 @p0 $0x10, s24;
	s25 =	simm.s32 $0x0  }
0x13c: {  	s25 =	smov.u32 @p0 s24;
	v23 =	vshrl.u32 v21, $0x10  }
0x13d: {  	v24 =	vor.u32 s25, v0;
	v23 =	vand.u32 $0xFF, v23  }
0x13e: {  	vm0 =	vlt.s32 v24, v20;
	vm1 =	veq.s32 v23, v22  }
0x13f: {  	vm0 =	vmand vm0, vm1  }
0x140: {  	v20 =	vmpcnt.ones.xlane vm0;
	_ =	sdelay $0x1  }
0x141: {  	v20 =	vxor.u32 $0x80000000, v20  }
0x142: {  	(xrf0) =	vmax.scan.msk.u32 $0xffff, v20;
	_ =	sdelay $0x5  }
0x143: {  	v20, _, _ =	vpop (xrf0)  }
0x144: {  	(v2sf) =	vpush v20, $0xF;
	_ =	sdelay $0xb  }
0x145: {  	s24 =	spop @p0 (v2sf)  }
.Ltmp14:
0x146: {  	s22 =	sadd.s32 @p0 s24, s22;
	(pc) =	sbr.rel .LBB2_24-.Ltmp14, $4  }
0x147: {  	s22 =	sadd.s32 @p0 $0x80000000, s22  }
0x148: {  	s23 =	smov.u32 @p0 s22;
	s31 =	spop (v2sf)  }
0x149: {  	s22 =	sadd.s32 s31, s23  }
0x14a: {  	[tilespmem:s23+$0x8110] =	vst.msk vm0, v21;
	s22 =	sadd.s32 $0x80000000, s22  }
.LBB2_17:
0x14b: {  	s22 =	simm.s32 $0x0  }
.LBB2_24:
0x14c: {  	[tilespmem:$0x4000] =	vst v3  }
0x14d: {  	[tilespmem:$0x4010] =	vst v3  }
0x14e: {  	[tilespmem:$0x4020] =	vst v3  }
0x14f: {  	[tilespmem:$0x4030] =	vst v3;
	s23 =	sadd.s32 $0xF, s22  }
0x150: {  	[tilespmem:$0x4040] =	vst v3;
	s24 =	sand.u32 $0xF, s23  }
0x151: {  	[tilespmem:$0x4050] =	vst v3;
	s31 =	sshra.s32 s23, $0x1F;
	p1 =	slt.s32 s23, $0x1;
	p0 =	sne.s32 s24, $0x0  }
0x152: {  	[tilespmem:$0x4060] =	vst v3;
	s24 =	sshrl.u32 s31, $0x1C;
	p0 =	por !p1, !p0  }
0x153: {  	[tilespmem:$0x4070] =	vst v3;
	s23 =	sadd.s32 s24, s23;
	s24 =	simm.s32 $0x1;
	p0 =	por !p0, !p0  }
0x154: {  	[tilespmem:$0x4080] =	vst v3;
	s23 =	sshra.s32 s23, $0x4;
	s24 =	simm.s32 @!p0 $0x0  }
0x155: {  	[tilespmem:$0x4090] =	vst v3;
	s23 =	ssub.s32 s23, s24  }
0x156: {  	[tilespmem:$0x40A0] =	vst v3;
	p0 =	slt.s32 s23, $0x1  }
.Ltmp15:
0x157: {  	[tilespmem:$0x40B0] =	vst v3;
	(pc) =	sbr.rel @p0 .LBB2_31-.Ltmp15, $4  }
0x158: {  	[tilespmem:$0x40C0] =	vst v3  }
0x159: {  	[tilespmem:$0x40D0] =	vst v3  }
0x15a: {  	[tilespmem:$0x40E0] =	vst v3  }
0x15b: {  	[tilespmem:$0x40F0] =	vst v3;
	v20 =	vmov s22  }
0x15c: {  	p2 =	seq.s32 s23, $0x1  }
.Ltmp16:
0x15d: {  	_ = 	snop;
	(pc) =	sbr.rel @p2 .LBB2_26-.Ltmp16, $3  }
0x15e: {  	_ =	sdelay $0x1  }
0x15f: {  	s24 =	simm.s32 $0x8110  }
0x160: {  	s22 =	simm.s32 $0x0;
	p1 =	por $0x0, $0x0;
	v21 =	vld [tilespmem:s24+$0x0];
	s24 =	sadd.s32 $0xFFFFFFFF, s23  }
0x161: {  	_ =	sdelay $0x2  }
0x162: {  	v22 =	vor.u32 s22, v0  }
0x163: {  	vm0 =	vlt.s32 v22, v20;
	v21 =	vshrl.u32 v21, $0x8  }
0x164: {  	v21 =	vand.u32 $0xFF, v21  }
0x165: {  	p2 =	seq.s32 s24, $0x1  }
.Ltmp17:
0x166: {  	_ = 	snop;
	(pc) =	sbr.rel @p2 .LBB2_28-.Ltmp17, $3  }
0x167: {  	_ =	sdelay $0x1  }
0x168: {  	s25 =	simm.s32 $0x8120;
	[tilespmem:v21+s10+$0x0] =	vst.idx.add.s32.msk vm0, v4  }
0x169: {  	s26 =	sadd.s32 $0xFFFFFFFF, s24;
	p1 =	por $0x1, $0x1;
	s24 =	simm.s32 $0x0;
	v21 =	vld [tilespmem:s25+$0x0]  }
.LBB2_29:
0x16a: {  	p2 =	seq.s32 s26, $0x1;
	_ =	sdelay $0x1  }
0x16b: {  	s24 =	sadd.s32 $0x10, s24  }
0x16c: {  	v22 =	vor.u32 s24, v0  }
0x16d: {  	vm0 =	vlt.s32 v22, v20;
	v21 =	vshrl.u32 v21, $0x8  }
0x16e: {  	v21 =	vand.u32 $0xFF, v21;
	_ =	sdelay $0x1  }
.Ltmp18:
0x16f: {  	(pc) =	sbr.rel @!p2 .LBB2_29-.Ltmp18, $3  }
0x170: {  	_ =	sdelay $0x1  }
0x171: {  	s25 =	sadd.s32 $0x10, s25;
	[tilespmem:v21+s10+$0x0] =	vst.idx.add.s32.msk vm0, v4  }
0x172: {  	s26 =	sadd.s32 $0xFFFFFFFF, s26;
	v21 =	vld [tilespmem:s25+$0x0]  }
.LBB2_30:
0x173: {  	_ = 	snop  }
0x174: {  	s24 =	sadd.s32 @p1 $0x10, s24  }
0x175: {  	s22 =	smov.u32 @p1 s24  }
0x176: {  	v22 =	vor.u32 s22, v0  }
0x177: {  	vm0 =	vlt.s32 v22, v20;
	v21 =	vshrl.u32 v21, $0x8  }
0x178: {  	v21 =	vand.u32 $0xFF, v21;
	_ =	sdelay $0x4  }
0x179: {  	[tilespmem:v21+s10+$0x0] =	vst.idx.add.s32.msk vm0, v4  }
.LBB2_31:
0x17a: {  	s31 =	simm.s32 $0x0  }
0x17b: {  	v22 =	vld [tilespmem:s31+$0x4000];
	_ =	sdelay $0x4  }
0x17c: {  	(xrf0) =	vadd.scan.msk.s32 $0xffff, v22;
	_ =	sdelay $0x5  }
0x17d: {  	s20 =	ssub.s32 s20, s21;
	s22 =	simm.s32 $0x0;
	v22, _, _ =	vpop (xrf0)  }
0x17e: {  	v21 =	vmov s20;
	v22 =	vadd.s32 s22, v22  }
0x17f: {  	vm0 =	vlt.s32 v22, v21;
	v22 =	vxor.u32 $0x80000000, v22  }
0x180: {  	(xrf0) =	vmax.scan.msk.u32 $0xffff, v22;
	_ =	sdelay $0x1  }
0x181: {  	v23 =	vnsel vm0, $0x80000000, v22  }
0x182: {  	v22 =	vmpcnt.ones.xlane vm0;
	(xrf0) =	vmax.scan.msk.u32 $0xffff, v23;
	_ =	sdelay $0x1  }
0x183: {  	v22 =	vxor.u32 $0x80000000, v22  }
0x184: {  	v23, _, _ =	vpop (xrf0);
	(xrf0) =	vmax.scan.msk.u32 $0xffff, v22;
	_ =	sdelay $0x2  }
0x185: {  	s24 =	simm.s32 $0x40;
	s25 =	simm.s32 $0x80;
	s21 =	simm.s32 $0x0;
	v22, _, _ =	vpop (xrf0);
	(v2sf) =	vpush v23, $0xF  }
.LBB2_32:
0x186: {  	s26 =	smov.u32 s22  }
0x187: {  	p1 =	sne.s32 s25, $0x3C0;
	(v2sf) =	vpush v22, $0xF  }
0x188: {  	v22, _, _ =	vpop (xrf0)  }
0x189: {  	(v2sf) =	vpush v22, $0xF  }
0x18a: {  	s22 =	sshra.s32 s24, $0x2;
	s24 =	smov.u32 s25  }
0x18b: {  	v22 =	vld [tilespmem:s22+$0x4000];
	_ =	sdelay $0x4  }
0x18c: {  	(xrf0) =	vadd.scan.msk.s32 $0xffff, v22;
	_ =	sdelay $0x4  }
0x18d: {  	s22 =	spop (v2sf)  }
0x18e: {  	v22, _, _ =	vpop (xrf0);
	s22 =	sxor.u32 $0x80000000, s22;
	s28 =	spop (v2sf)  }
0x18f: {  	v22 =	vadd.s32 s22, v22;
	s22 =	sxor.u32 $0x80000000, s28  }
0x190: {  	vm0 =	vlt.s32 v22, v21;
	v22 =	vxor.u32 $0x80000000, v22;
	p2 =	sgt.s32 s26, s22;
	s28 =	spop (v2sf)  }
0x191: {  	v23 =	vmpcnt.ones.xlane vm0;
	v24 =	vnsel vm0, $0x80000000, v22;
	(xrf0) =	vmax.scan.msk.u32 $0xffff, v22;
	s21 =	sadd.s32 s28, s21;
	s22 =	smov.u32 @p2 s26  }
0x192: {  	(xrf0) =	vmax.scan.msk.u32 $0xffff, v24;
	s21 =	sadd.s32 $0x80000000, s21  }
0x193: {  	v22 =	vxor.u32 $0x80000000, v23  }
.Ltmp19:
0x194: {  	(xrf0) =	vmax.scan.msk.u32 $0xffff, v22;
	(pc) =	sbr.rel @p1 .LBB2_32-.Ltmp19, $3  }
0x195: {  	_ =	sdelay $0x1  }
0x196: {  	v23, _, _ =	vpop (xrf0)  }
0x197: {  	s25 =	sadd.s32 $0x40, s25;
	v22, _, _ =	vpop (xrf0);
	(v2sf) =	vpush v23, $0xF  }
0x198: {  	_ =	sdelay $0x2  }
0x199: {  	s24 =	sshra.s32 s24, $0x2  }
0x19a: {  	v23 =	vld [tilespmem:s24+$0x4000];
	_ =	sdelay $0x4  }
0x19b: {  	(xrf0) =	vadd.scan.msk.s32 $0xffff, v23;
	_ =	sdelay $0x4  }
0x19c: {  	v23, _, _ =	vpop (xrf0);
	s28 =	spop (v2sf)  }
0x19d: {  	v24, _, _ =	vpop (xrf0);
	s24 =	sxor.u32 $0x80000000, s28  }
0x19e: {  	v24 =	vadd.s32 s24, v24  }
0x19f: {  	vm0 =	vlt.s32 v24, v21  }
0x1a0: {  	v21 =	vxor.u32 $0x80000000, v24;
	v63 =	vmpcnt.ones.xlane vm0  }
0x1a1: {  	(xrf0) =	vmax.scan.msk.u32 $0xffff, v21;
	v21 =	vnsel vm0, $0x80000000, v21  }
0x1a2: {  	(xrf0) =	vmax.scan.msk.u32 $0xffff, v21;
	v21 =	vxor.u32 $0x80000000, v63  }
0x1a3: {  	(xrf0) =	vmax.scan.msk.u32 $0xffff, v21;
	_ =	sdelay $0x2  }
0x1a4: {  	(v2sf) =	vpush v22, $0xF  }
0x1a5: {  	(v2sf) =	vpush v23, $0xF;
	v21, _, _ =	vpop (xrf0)  }
0x1a6: {  	v22, _, _ =	vpop (xrf0);
	(v2sf) =	vpush v21, $0xF  }
0x1a7: {  	(v2sf) =	vpush v22, $0xF;
	v21, _, _ =	vpop (xrf0)  }
0x1a8: {  	(v2sf) =	vpush v21, $0xF;
	_ =	sdelay $0xa  }
0x1a9: {  	s29 =	spop (v2sf)  }
0x1aa: {  	s25 =	spop (v2sf);
	s24 =	sxor.u32 $0x80000000, s29  }
.Ltmp20:
0x1ab: {  	p1 =	sgt.s32 s22, s24;
	s26 =	spop (v2sf);
	(pc) =	sbr.rel @p0 .LBB2_34-.Ltmp20, $4  }
0x1ac: {  	s21 =	sadd.s32 s25, s21;
	s24 =	smov.u32 @p1 s22;
	s30 =	spop (v2sf)  }
0x1ad: {  	s21 =	sadd.s32 $0x80000000, s21;
	s22 =	sxor.u32 $0x80000000, s30;
	s31 =	spop (v2sf)  }
0x1ae: {  	p1 =	sgt.s32 s24, s22;
	s21 =	sadd.s32 s31, s21  }
0x1af: {  	s22 =	smov.u32 @p1 s24;
	s21 =	sadd.s32 $0x80000000, s21  }
0x1b0: {  	p1 =	sne.s32 s23, $0x1  }
.Ltmp21:
0x1b1: {  	_ = 	snop;
	(pc) =	sbr.rel @!p1 .LBB2_36-.Ltmp21, $3  }
0x1b2: {  	_ =	sdelay $0x1  }
0x1b3: {  	s25 =	simm.s32 $0x8110  }
0x1b4: {  	v22 =	vmov s21;
	s24 =	simm.s32 $0x0;
	s23 =	sadd.s32 $0xFFFFFFFF, s23;
	p0 =	por $0x0, $0x0;
	v21 =	vld [tilespmem:s25+$0x0]  }
0x1b5: {  	_ =	sdelay $0x3  }
0x1b6: {  	v23 =	vshrl.u32 v21, $0x8  }
0x1b7: {  	v24 =	vor.u32 s24, v0;
	v23 =	vand.u32 $0xFF, v23  }
0x1b8: {  	vm0 =	vlt.s32 v24, v20;
	vm1 =	veq.s32 v23, v22  }
0x1b9: {  	vm0 =	vmand vm0, vm1  }
0x1ba: {  	v23 =	vmpcnt.ones.xlane vm0;
	_ =	sdelay $0x1  }
0x1bb: {  	v23 =	vxor.u32 $0x80000000, v23  }
0x1bc: {  	(xrf0) =	vmax.scan.msk.u32 $0xffff, v23;
	_ =	sdelay $0x1  }
0x1bd: {  	p1 =	sne.s32 s23, $0x1  }
.Ltmp22:
0x1be: {  	_ = 	snop;
	(pc) =	sbr.rel @!p1 .LBB2_38-.Ltmp22, $3  }
0x1bf: {  	_ =	sdelay $0x1  }
0x1c0: {  	s26 =	simm.s32 $0x8120;
	s28 =	sadd.s32 $0xFFFFFFFF, s23;
	[tilespmem:s24+$0x4100] =	vst.msk vm0, v21;
	v23, _, _ =	vpop (xrf0)  }
0x1c1: {  	p0 =	por $0x1, $0x1;
	s25 =	simm.s32 $0x0;
	s23 =	simm.s32 $0x0;
	v21 =	vld [tilespmem:s26+$0x0];
	(v2sf) =	vpush v23, $0xF  }
.LBB2_39:
0x1c2: {  	p1 =	sne.s32 s28, $0x1;
	_ =	sdelay $0x3  }
0x1c3: {  	s25 =	sadd.s32 $0x10, s25;
	v23 =	vshrl.u32 v21, $0x8  }
0x1c4: {  	v24 =	vor.u32 s25, v0;
	v23 =	vand.u32 $0xFF, v23  }
0x1c5: {  	vm0 =	vlt.s32 v24, v20;
	vm1 =	veq.s32 v23, v22  }
0x1c6: {  	vm0 =	vmand vm0, vm1  }
0x1c7: {  	v23 =	vmpcnt.ones.xlane vm0;
	_ =	sdelay $0x1  }
0x1c8: {  	v23 =	vxor.u32 $0x80000000, v23  }
0x1c9: {  	(xrf0) =	vmax.scan.msk.u32 $0xffff, v23;
	_ =	sdelay $0x2  }
.Ltmp23:
0x1ca: {  	s29 =	spop (v2sf);
	(pc) =	sbr.rel @p1 .LBB2_39-.Ltmp23, $4  }
0x1cb: {  	s23 =	sadd.s32 s29, s23  }
0x1cc: {  	s23 =	sadd.s32 $0x80000000, s23  }
0x1cd: {  	s26 =	sadd.s32 $0x10, s26;
	[tilespmem:s23+$0x4100] =	vst.msk vm0, v21;
	v23, _, _ =	vpop (xrf0)  }
0x1ce: {  	s28 =	sadd.s32 $0xFFFFFFFF, s28;
	v21 =	vld [tilespmem:s26+$0x0];
	(v2sf) =	vpush v23, $0xF  }
.LBB2_40:
0x1cf: {  	_ =	sdelay $0x2  }
0x1d0: {  	s25 =	sadd.s32 @p0 $0x10, s25;
	s26 =	simm.s32 $0x0  }
0x1d1: {  	s26 =	smov.u32 @p0 s25;
	v23 =	vshrl.u32 v21, $0x8  }
0x1d2: {  	v24 =	vor.u32 s26, v0;
	v23 =	vand.u32 $0xFF, v23  }
0x1d3: {  	vm0 =	vlt.s32 v24, v20;
	vm1 =	veq.s32 v23, v22  }
0x1d4: {  	vm0 =	vmand vm0, vm1  }
0x1d5: {  	v20 =	vmpcnt.ones.xlane vm0;
	_ =	sdelay $0x1  }
0x1d6: {  	v20 =	vxor.u32 $0x80000000, v20  }
0x1d7: {  	(xrf0) =	vmax.scan.msk.u32 $0xffff, v20;
	_ =	sdelay $0x5  }
0x1d8: {  	v20, _, _ =	vpop (xrf0)  }
0x1d9: {  	(v2sf) =	vpush v20, $0xF;
	_ =	sdelay $0xb  }
0x1da: {  	s25 =	spop @p0 (v2sf)  }
.Ltmp24:
0x1db: {  	s23 =	sadd.s32 @p0 s25, s23;
	(pc) =	sbr.rel .LBB2_41-.Ltmp24, $4  }
0x1dc: {  	s23 =	sadd.s32 @p0 $0x80000000, s23  }
0x1dd: {  	s24 =	smov.u32 @p0 s23;
	s31 =	spop (v2sf)  }
0x1de: {  	s23 =	sadd.s32 s31, s24  }
0x1df: {  	[tilespmem:s24+$0x4100] =	vst.msk vm0, v21;
	s23 =	sadd.s32 $0x80000000, s23  }
.LBB2_34:
0x1e0: {  	s23 =	simm.s32 $0x0  }
.LBB2_41:
0x1e1: {  	[tilespmem:$0x4000] =	vst v3  }
0x1e2: {  	[tilespmem:$0x4010] =	vst v3  }
0x1e3: {  	[tilespmem:$0x4020] =	vst v3  }
0x1e4: {  	[tilespmem:$0x4030] =	vst v3;
	s24 =	sadd.s32 $0xF, s23  }
0x1e5: {  	[tilespmem:$0x4040] =	vst v3;
	s25 =	sand.u32 $0xF, s24  }
0x1e6: {  	[tilespmem:$0x4050] =	vst v3;
	s31 =	sshra.s32 s24, $0x1F;
	p1 =	slt.s32 s24, $0x1;
	p0 =	sne.s32 s25, $0x0  }
0x1e7: {  	[tilespmem:$0x4060] =	vst v3;
	s25 =	sshrl.u32 s31, $0x1C;
	p0 =	por !p1, !p0  }
0x1e8: {  	[tilespmem:$0x4070] =	vst v3;
	s24 =	sadd.s32 s25, s24;
	s25 =	simm.s32 $0x1;
	p0 =	por !p0, !p0  }
0x1e9: {  	[tilespmem:$0x4080] =	vst v3;
	s24 =	sshra.s32 s24, $0x4;
	s25 =	simm.s32 @!p0 $0x0  }
0x1ea: {  	[tilespmem:$0x4090] =	vst v3;
	s24 =	ssub.s32 s24, s25  }
0x1eb: {  	[tilespmem:$0x40A0] =	vst v3;
	p0 =	slt.s32 s24, $0x1  }
.Ltmp25:
0x1ec: {  	[tilespmem:$0x40B0] =	vst v3;
	(pc) =	sbr.rel @p0 .LBB2_48-.Ltmp25, $4  }
0x1ed: {  	[tilespmem:$0x40C0] =	vst v3  }
0x1ee: {  	[tilespmem:$0x40D0] =	vst v3  }
0x1ef: {  	[tilespmem:$0x40E0] =	vst v3  }
0x1f0: {  	[tilespmem:$0x40F0] =	vst v3  }
0x1f1: {  	p1 =	seq.s32 s24, $0x1  }
.Ltmp26:
0x1f2: {  	_ = 	snop;
	(pc) =	sbr.rel @p1 .LBB2_43-.Ltmp26, $3  }
0x1f3: {  	_ =	sdelay $0x1  }
0x1f4: {  	s25 =	simm.s32 $0x4100  }
0x1f5: {  	v20 =	vmov s23;
	s23 =	simm.s32 $0x0;
	s24 =	sadd.s32 $0xFFFFFFFF, s24;
	p0 =	por $0x0, $0x0;
	v21 =	vld [tilespmem:s25+$0x0]  }
0x1f6: {  	_ =	sdelay $0x1  }
0x1f7: {  	v22 =	vor.u32 s23, v0  }
0x1f8: {  	vm0 =	vlt.s32 v22, v20  }
0x1f9: {  	v21 =	vand.u32 $0xFF, v21  }
0x1fa: {  	p1 =	seq.s32 s24, $0x1  }
.Ltmp27:
0x1fb: {  	_ = 	snop;
	(pc) =	sbr.rel @p1 .LBB2_45-.Ltmp27, $3  }
0x1fc: {  	_ =	sdelay $0x1  }
0x1fd: {  	s25 =	simm.s32 $0x4110;
	[tilespmem:v21+s10+$0x0] =	vst.idx.add.s32.msk vm0, v4  }
0x1fe: {  	s26 =	sadd.s32 $0xFFFFFFFF, s24;
	p0 =	por $0x1, $0x1;
	s24 =	simm.s32 $0x0;
	v21 =	vld [tilespmem:s25+$0x0]  }
.LBB2_46:
0x1ff: {  	p1 =	seq.s32 s26, $0x1  }
0x200: {  	s24 =	sadd.s32 $0x10, s24  }
0x201: {  	v22 =	vor.u32 s24, v0  }
0x202: {  	vm0 =	vlt.s32 v22, v20  }
0x203: {  	v21 =	vand.u32 $0xFF, v21;
	_ =	sdelay $0x1  }
.Ltmp28:
0x204: {  	(pc) =	sbr.rel @!p1 .LBB2_46-.Ltmp28, $3  }
0x205: {  	_ =	sdelay $0x1  }
0x206: {  	s25 =	sadd.s32 $0x10, s25;
	[tilespmem:v21+s10+$0x0] =	vst.idx.add.s32.msk vm0, v4  }
0x207: {  	s26 =	sadd.s32 $0xFFFFFFFF, s26;
	v21 =	vld [tilespmem:s25+$0x0]  }
.LBB2_47:
0x208: {  	s24 =	sadd.s32 @p0 $0x10, s24  }
0x209: {  	s23 =	smov.u32 @p0 s24  }
0x20a: {  	v22 =	vor.u32 s23, v0  }
0x20b: {  	vm0 =	vlt.s32 v22, v20  }
0x20c: {  	v20 =	vand.u32 $0xFF, v21;
	_ =	sdelay $0x4  }
0x20d: {  	[tilespmem:v20+s10+$0x0] =	vst.idx.add.s32.msk vm0, v4  }
.LBB2_48:
0x20e: {  	s23 =	simm.s32 $0x0  }
0x20f: {  	v21 =	vld [tilespmem:s23+$0x4000];
	_ =	sdelay $0x4  }
0x210: {  	(xrf0) =	vadd.scan.msk.s32 $0xffff, v21;
	_ =	sdelay $0x5  }
0x211: {  	s20 =	ssub.s32 s20, s22;
	s22 =	simm.s32 $0x0;
	v21, _, _ =	vpop (xrf0)  }
0x212: {  	v20 =	vmov s20;
	v21 =	vadd.s32 s22, v21  }
0x213: {  	vm0 =	vlt.s32 v21, v20;
	v21 =	vxor.u32 $0x80000000, v21  }
0x214: {  	(xrf0) =	vmax.scan.msk.u32 $0xffff, v21;
	_ =	sdelay $0x1  }
0x215: {  	v22 =	vnsel vm0, $0x80000000, v21  }
0x216: {  	v21 =	vmpcnt.ones.xlane vm0;
	(xrf0) =	vmax.scan.msk.u32 $0xffff, v22;
	_ =	sdelay $0x1  }
0x217: {  	v21 =	vxor.u32 $0x80000000, v21  }
0x218: {  	v22, _, _ =	vpop (xrf0);
	(xrf0) =	vmax.scan.msk.u32 $0xffff, v21;
	_ =	sdelay $0x2  }
0x219: {  	s24 =	simm.s32 $0x40;
	s25 =	simm.s32 $0x80;
	s23 =	simm.s32 $0x0;
	v21, _, _ =	vpop (xrf0);
	(v2sf) =	vpush v22, $0xF  }
.LBB2_49:
0x21a: {  	s26 =	smov.u32 s22  }
0x21b: {  	p0 =	sne.s32 s25, $0x3C0;
	(v2sf) =	vpush v21, $0xF  }
0x21c: {  	v21, _, _ =	vpop (xrf0)  }
0x21d: {  	(v2sf) =	vpush v21, $0xF  }
0x21e: {  	s22 =	sshra.s32 s24, $0x2;
	s24 =	smov.u32 s25  }
0x21f: {  	v21 =	vld [tilespmem:s22+$0x4000];
	_ =	sdelay $0x4  }
0x220: {  	(xrf0) =	vadd.scan.msk.s32 $0xffff, v21;
	_ =	sdelay $0x4  }
0x221: {  	s22 =	spop (v2sf)  }
0x222: {  	v21, _, _ =	vpop (xrf0);
	s22 =	sxor.u32 $0x80000000, s22;
	s28 =	spop (v2sf)  }
0x223: {  	v21 =	vadd.s32 s22, v21;
	s22 =	sxor.u32 $0x80000000, s28  }
0x224: {  	vm0 =	vlt.s32 v21, v20;
	v21 =	vxor.u32 $0x80000000, v21;
	p1 =	sgt.s32 s26, s22;
	s28 =	spop (v2sf)  }
0x225: {  	v22 =	vmpcnt.ones.xlane vm0;
	v23 =	vnsel vm0, $0x80000000, v21;
	(xrf0) =	vmax.scan.msk.u32 $0xffff, v21;
	s23 =	sadd.s32 s28, s23;
	s22 =	smov.u32 @p1 s26  }
0x226: {  	(xrf0) =	vmax.scan.msk.u32 $0xffff, v23;
	s23 =	sadd.s32 $0x80000000, s23  }
0x227: {  	v21 =	vxor.u32 $0x80000000, v22  }
.Ltmp29:
0x228: {  	(xrf0) =	vmax.scan.msk.u32 $0xffff, v21;
	(pc) =	sbr.rel @p0 .LBB2_49-.Ltmp29, $3  }
0x229: {  	_ =	sdelay $0x1  }
0x22a: {  	v22, _, _ =	vpop (xrf0)  }
0x22b: {  	s25 =	sadd.s32 $0x40, s25;
	v21, _, _ =	vpop (xrf0);
	(v2sf) =	vpush v22, $0xF  }
0x22c: {  	_ =	sdelay $0x2  }
0x22d: {  	s24 =	sshra.s32 s24, $0x2  }
0x22e: {  	v22 =	vld [tilespmem:s24+$0x4000];
	_ =	sdelay $0x4  }
0x22f: {  	(xrf0) =	vadd.scan.msk.s32 $0xffff, v22;
	_ =	sdelay $0x4  }
0x230: {  	v22, _, _ =	vpop (xrf0);
	s26 =	spop (v2sf)  }
0x231: {  	v23, _, _ =	vpop (xrf0);
	s24 =	sxor.u32 $0x80000000, s26  }
0x232: {  	v23 =	vadd.s32 s24, v23  }
0x233: {  	vm0 =	vlt.s32 v23, v20  }
0x234: {  	v20 =	vxor.u32 $0x80000000, v23;
	v23 =	vmpcnt.ones.xlane vm0  }
0x235: {  	(xrf0) =	vmax.scan.msk.u32 $0xffff, v20;
	v20 =	vnsel vm0, $0x80000000, v20  }
0x236: {  	(xrf0) =	vmax.scan.msk.u32 $0xffff, v20;
	v20 =	vxor.u32 $0x80000000, v23  }
0x237: {  	(xrf0) =	vmax.scan.msk.u32 $0xffff, v20;
	_ =	sdelay $0x2  }
0x238: {  	(v2sf) =	vpush v21, $0xF  }
0x239: {  	(v2sf) =	vpush v22, $0xF;
	v20, _, _ =	vpop (xrf0)  }
0x23a: {  	v21, _, _ =	vpop (xrf0);
	(v2sf) =	vpush v20, $0xF  }
0x23b: {  	(v2sf) =	vpush v21, $0xF;
	v20, _, _ =	vpop (xrf0)  }
0x23c: {  	(v2sf) =	vpush v20, $0xF;
	_ =	sdelay $0xa  }
0x23d: {  	s28 =	spop (v2sf)  }
0x23e: {  	s25 =	spop (v2sf)  }
0x23f: {  	s19 =	sshll.u32 s19, $0x8;
	s23 =	sadd.s32 s25, s23;
	s26 =	spop (v2sf)  }
0x240: {  	s29 =	spop (v2sf);
	s26 =	sshll.u32 s18, $0x10;
	s18 =	simm.s32 $0x0  }
0x241: {  	s23 =	sadd.s32 $0x80000000, s23;
	s19 =	sadd.s32 s26, s19;
	v21 =	vld [tilespmem:s18+$0x0];
	s30 =	spop (v2sf)  }
0x242: {  	s19 =	sadd.s32 s21, s19;
	s23 =	sadd.s32 s30, s23  }
0x243: {  	s19 =	sshll.u32 s19, $0x8;
	s31 =	sadd.s32 $0x80000000, s23  }
0x244: {  	s19 =	sadd.s32 s19, s31  }
0x245: {  	v20 =	vmov s19  }
0x246: {  	vm15 =	vlt.s32 v21, v20  }
0x247: {  	vm1 =	veq.s32 v21, v20;
	v21 =	vmpcnt.ones.xlane vm15  }
0x248: {  	v22 =	vmpcnt.ones.xlane vm1  }
0x249: {  	v21 =	vxor.u32 $0x80000000, v21  }
0x24a: {  	v22 =	vxor.u32 $0x80000000, v22;
	(xrf0) =	vmax.scan.msk.u32 $0xffff, v21  }
0x24b: {  	(xrf0) =	vmax.scan.msk.u32 $0xffff, v22;
	_ =	sdelay $0x2  }
0x24c: {  	s19 =	sxor.u32 $0x80000000, s28  }
0x24d: {  	p0 =	sgt.s32 s22, s19  }
0x24e: {  	s21 =	sxor.u32 $0x80000000, s29;
	s19 =	smov.u32 @p0 s22;
	v21 =	vor.u32 s18, v0;
	v22, _, _ =	vpop (xrf0)  }
0x24f: {  	p0 =	sgt.s32 s19, s21;
	[tilespmem:s18+$0xC120] =	vst.msk vm15, v21;
	(v2sf) =	vpush v22, $0xF;
	v22, _, _ =	vpop (xrf0)  }
0x250: {  	s21 =	smov.u32 @p0 s19;
	s19 =	simm.s32 $0x10;
	[tilespmem:s18+$0x8110] =	vst.msk vm1, v21;
	(v2sf) =	vpush v22, $0xF  }
0x251: {  	s24 =	simm.s32 $0x10;
	s23 =	simm.s32 $0x20;
	s22 =	simm.s32 $0x0;
	v21 =	vld [tilespmem:s19+$0x0]  }
.LBB2_51:
0x252: {  	p0 =	sne.s32 s23, $0x3FF0;
	_ =	sdelay $0x3  }
0x253: {  	vm0 =	vlt.s32 v21, v20;
	vm1 =	veq.s32 v21, v20  }
0x254: {  	v21 =	vmpcnt.ones.xlane vm0;
	v22 =	vmpcnt.ones.xlane vm1;
	_ =	sdelay $0x1  }
0x255: {  	v21 =	vxor.u32 $0x80000000, v21;
	v22 =	vxor.u32 $0x80000000, v22  }
0x256: {  	(xrf0) =	vmax.scan.msk.u32 $0xffff, v21  }
0x257: {  	(xrf0) =	vmax.scan.msk.u32 $0xffff, v22;
	_ =	sdelay $0x2  }
0x258: {  	s25 =	spop (v2sf)  }
.Ltmp30:
0x259: {  	s18 =	sadd.s32 s25, s18;
	s25 =	spop (v2sf);
	(pc) =	sbr.rel @p0 .LBB2_51-.Ltmp30, $4  }
0x25a: {  	v21 =	vor.u32 s19, v0;
	s19 =	smov.u32 s23;
	v22, _, _ =	vpop (xrf0);
	s18 =	sadd.s32 $0x80000000, s18;
	s22 =	sadd.s32 s25, s22  }
0x25b: {  	[tilespmem:s18+$0xC120] =	vst.msk vm0, v21;
	(v2sf) =	vpush v22, $0xF;
	v22, _, _ =	vpop (xrf0);
	s22 =	sadd.s32 $0x80000000, s22  }
0x25c: {  	s24 =	sadd.s32 $0x10, s24;
	[tilespmem:s22+$0x8110] =	vst.msk vm1, v21;
	(v2sf) =	vpush v22, $0xF  }
0x25d: {  	s23 =	sadd.s32 $0x10, s23;
	v21 =	vld [tilespmem:s24+$0x0]  }
0x25e: {  	_ =	sdelay $0x3  }
0x25f: {  	vm1 =	vlt.s32 v21, v20  }
0x260: {  	v22 =	vmpcnt.ones.xlane vm1  }
0x261: {  	vm0 =	veq.s32 v21, v20  }
0x262: {  	v20 =	vmpcnt.ones.xlane vm0;
	v63 =	vxor.u32 $0x80000000, v22  }
0x263: {  	(xrf0) =	vmax.scan.msk.u32 $0xffff, v63  }
0x264: {  	v20 =	vxor.u32 $0x80000000, v20  }
0x265: {  	(xrf0) =	vmax.scan.msk.u32 $0xffff, v20;
	_ =	sdelay $0x3  }
0x266: {  	v20, _, _ =	vpop (xrf0)  }
0x267: {  	(v2sf) =	vpush v20, $0xF  }
0x268: {  	v20, _, _ =	vpop (xrf0)  }
0x269: {  	(v2sf) =	vpush v20, $0xF;
	_ =	sdelay $0x1  }
0x26a: {  	s20 =	ssub.s32 s20, s21  }
0x26b: {  	s20 =	sadd.s32 $0xF, s20  }
0x26c: {  	s26 =	sand.u32 $0xF, s20  }
0x26d: {  	s23 =	sshra.s32 s20, $0x1F;
	p0 =	slt.s32 s20, $0x1;
	p1 =	sne.s32 s26, $0x0  }
0x26e: {  	s23 =	sshrl.u32 s23, $0x1C;
	p0 =	por !p0, !p1  }
0x26f: {  	s20 =	sadd.s32 s23, s20;
	s23 =	simm.s32 $0x1;
	p0 =	por !p0, !p0  }
0x270: {  	s20 =	sshra.s32 s20, $0x4;
	s23 =	simm.s32 @!p0 $0x0  }
0x271: {  	v20 =	vor.u32 s19, v0;
	s19 =	ssub.s32 s20, s23  }
0x272: {  	p0 =	slt.s32 s19, $0x1  }
.Ltmp31:
0x273: {  	s25 =	spop (v2sf);
	(pc) =	sbr.rel @p0 .LBB2_55-.Ltmp31, $4  }
0x274: {  	s18 =	sadd.s32 s25, s18;
	s28 =	spop (v2sf)  }
0x275: {  	s18 =	sadd.s32 $0x80000000, s18;
	s21 =	sadd.s32 s28, s22;
	s29 =	spop (v2sf)  }
0x276: {  	s30 =	sadd.s32 $0x80000000, s21;
	[tilespmem:s18+$0xC120] =	vst.msk vm1, v20;
	s18 =	sadd.s32 s29, s18  }
0x277: {  	[tilespmem:s30+$0x8110] =	vst.msk vm0, v20;
	s31 =	spop (v2sf);
	s18 =	sadd.s32 $0x80000000, s18  }
0x278: {  	s20 =	simm.s32 $0x8110  }
0x279: {  	p0 =	sne.s32 s19, $0x1;
	v20 =	vld [tilespmem:s20+$0x0]  }
.Ltmp32:
0x27a: {  	_ = 	snop;
	(pc) =	sbr.rel @!p0 .LBB2_55-.Ltmp32, $3  }
0x27b: {  	_ =	sdelay $0x1  }
0x27c: {  	s18 =	sadd.s32 $0xC120, s18  }
0x27d: {  	s19 =	sadd.s32 $0xFFFFFFFF, s19;
	s20 =	simm.s32 $0x8120;
	[tilespmem:s18+$0x0] =	vst v20  }
.LBB2_54:
0x27e: {  	v20 =	vld [tilespmem:s20+$0x0];
	p0 =	sne.s32 s19, $0x1;
	s19 =	sadd.s32 $0xFFFFFFFF, s19  }
.Ltmp33:
0x27f: {  	(pc) =	sbr.rel @p0 .LBB2_54-.Ltmp33, $3  }
0x280: {  	_ =	sdelay $0x1  }
0x281: {  	s18 =	sadd.s32 $0x10, s18  }
0x282: {  	s20 =	sadd.s32 $0x10, s20;
	[tilespmem:s18+$0x0] =	vst v20  }
.Ltmp34:
0x283: {  	_ = 	snop;
	(pc) =	sbr.rel .LBB2_55-.Ltmp34, $1  }
0x284: {  	_ =	sdelay $0x3  }
.LBB2_9:
.Ltmp35:
0x285: {  	(pc) =	sbr.rel .LBB2_13-.Ltmp35, $2  }
0x286: {  	_ =	sdelay $0x2  }
0x287: {  	s21 =	simm.s32 $0x0  }
.LBB2_19:
.Ltmp36:
0x288: {  	(pc) =	sbr.rel .LBB2_23-.Ltmp36, $2  }
0x289: {  	_ =	sdelay $0x2  }
0x28a: {  	s24 =	simm.s32 $0x0;
	s22 =	simm.s32 $0x0  }
.LBB2_26:
.Ltmp37:
0x28b: {  	(pc) =	sbr.rel .LBB2_30-.Ltmp37, $2  }
0x28c: {  	_ =	sdelay $0x2  }
0x28d: {  	s24 =	simm.s32 $0x0  }
.LBB2_36:
.Ltmp38:
0x28e: {  	(pc) =	sbr.rel .LBB2_40-.Ltmp38, $2  }
0x28f: {  	_ =	sdelay $0x2  }
0x290: {  	s25 =	simm.s32 $0x0;
	s23 =	simm.s32 $0x0  }
.LBB2_43:
.Ltmp39:
0x291: {  	(pc) =	sbr.rel .LBB2_47-.Ltmp39, $2  }
0x292: {  	_ =	sdelay $0x2  }
0x293: {  	s24 =	simm.s32 $0x0  }
.LBB2_11:
.Ltmp40:
0x294: {  	(pc) =	sbr.rel .LBB2_13-.Ltmp40, $2  }
0x295: {  	_ =	sdelay $0x2  }
0x296: {  	s21 =	simm.s32 $0x0  }
.LBB2_21:
.Ltmp41:
0x297: {  	(pc) =	sbr.rel .LBB2_23-.Ltmp41, $2  }
0x298: {  	_ =	sdelay $0x2  }
0x299: {  	s24 =	simm.s32 $0x0;
	s22 =	simm.s32 $0x0  }
.LBB2_28:
.Ltmp42:
0x29a: {  	(pc) =	sbr.rel .LBB2_30-.Ltmp42, $2  }
0x29b: {  	_ =	sdelay $0x2  }
0x29c: {  	s24 =	simm.s32 $0x0  }
.LBB2_38:
.Ltmp43:
0x29d: {  	(pc) =	sbr.rel .LBB2_40-.Ltmp43, $2  }
0x29e: {  	_ =	sdelay $0x2  }
0x29f: {  	s25 =	simm.s32 $0x0;
	s23 =	simm.s32 $0x0  }
.LBB2_45:
.Ltmp44:
0x2a0: {  	(pc) =	sbr.rel .LBB2_47-.Ltmp44, $2  }
0x2a1: {  	_ =	sdelay $0x2  }
0x2a2: {  	s24 =	simm.s32 $0x0  }
.LBB2_56:
0x2a3: {  	_ =	sfence.sel $0x180000  }
0x2a4: {  	[bflag:$0x0] =	sbarrier.arrive $0xFFFF  }
0x2a5: {  	p0 =	sne.s32 s0, $0x0;
	_ =	strace $0x90000047  }
0x2a6: {  	s0 =	sadd.s32 @!p0 $0x100000, s1;
	[bflag:$0x2] =	sbarrier.arrive $0xFFFF  }
0x2a7: {  	[sflag:s0] =	ssyncadd.tile.s32 @!p0 $0x1;
	_ =	shalt  }
.Lfunc_end2:
_tile_overlayer_lowered:
.L_overlay_start_2:
0x2a8: {  	(tag) =	ssettag $0x2  }
0x2a9: {  	s0 =	rddreg [dreg:$0x0];
	s2 =	stileid.u32  }
0x2aa: {  	s1 =	rddreg [dreg:$0x1];
	p0 =	sne.s32 s2, $0x0  }
0x2ab: {  	s3 =	rddreg [dreg:$0x2];
	[bflag:$0x3] =	sbarrier.arrive $0xFFFF;
	s2 =	simm.s32 @!p0 $0x1C03  }
0x2ac: {  	[timem:s3], [sflag:s2] =	dma.local @!p0 [hbm:s0], s1  }
0x2ad: {  	s0 =	simm.s32 @!p0 $0x3  }
0x2ae: {  	_ =	swait.ge @!p0 [sflag:s0], s1  }
0x2af: {  	s1 =	ssub.s32 @!p0 $0x0, s1;
	[sflag:s0] =	ssyncset.done @!p0 $0x0  }
0x2b0: {  	[sflag:s0] =	ssyncadd.s32 @!p0 s1  }
0x2b1: {  	[bflag:$0x3] =	sbarrier.arrive $0xFFFF  }
0x2b2: {  	_ =	shalt  }

</sc_bundles>
